<compile_context>
chip_gen: v7x
topology: tpu7x:2x2x1
jax: 0.10.2.dev20260603
libtpu: 0.0.44.dev20260713+nightly
codegen_flags: <defaults>
</compile_context>

<pallas_src>
import functools

import jax
import jax.numpy as jnp
from jax import lax
from jax.experimental import pallas as pl
from jax.experimental.pallas import tpu as pltpu
from jax.experimental.pallas import tpu_sc as plsc

_NC = 2
_NS = 16
_NW = _NC * _NS

_N_NODES = 10000
_D = 128
_CH = 128
_NCH = 80
_E_PAD = _NW * _NCH * _CH
_ACC_N = 10240
_STRIPE = _ACC_N // _NS
_DUMMY = _N_NODES


def _sc_body(feat, pk, out, pkv, srcb, dstb, rows, acc, gs0, gs1, ss0, ss1):
    c = lax.axis_index("c")
    s = lax.axis_index("s")
    slab = c * _NS + s
    gsems = (gs0, gs1)
    ssems = (ss0, ss1)

    zeros16 = jnp.zeros((16,), jnp.float32)

    def zrow(r, carry):
        for g in range(8):
            rows[0, r, pl.ds(g * 16, 16)] = zeros16
        return carry

    lax.fori_loop(0, _CH, zrow, 0)
    base = s * _STRIPE
    for i in range(_STRIPE // _CH):
        pltpu.sync_copy(rows.at[0], acc.at[pl.ds(base + i * _CH, _CH)])
    plsc.subcore_barrier()

    pltpu.sync_copy(pk.at[slab], pkv)

    def unpack(j, b):
        for g in range(8):
            v = pkv[j, pl.ds(g * 16, 16)]
            srcb[b, pl.ds(g * 16, 16)] = v & 0xFFFF
            dstb[b, pl.ds(g * 16, 16)] = v >> 16

    def gather_start(b):
        pltpu.async_copy(feat.at[srcb.at[b]], rows.at[b], gsems[b])

    def gather_wait(b):
        pltpu.make_async_copy(feat.at[srcb.at[b]], rows.at[b], gsems[b]).wait()

    def scatter_start(b):
        pltpu.async_copy(rows.at[b], acc.at[dstb.at[b]], ssems[b], add=True)

    def scatter_wait(b):
        pltpu.make_async_copy(rows.at[b], acc.at[dstb.at[b]], ssems[b]).wait()

    for b in range(2):
        unpack(b, b)
        gather_start(b)

    def body(i, carry):
        for b in range(2):
            j = i * 2 + b
            gather_wait(b)
            scatter_start(b)
            nxt = j + 2

            @pl.when(nxt < _NCH)
            def _():
                scatter_wait(b)
                unpack(nxt, b)
                gather_start(b)

        return carry

    lax.fori_loop(0, _NCH // 2, body, 0)
    for b in range(2):
        scatter_wait(b)

    plsc.subcore_barrier()
    pltpu.sync_copy(acc.at[pl.ds(base, _STRIPE)], out.at[c, pl.ds(base, _STRIPE)])


@jax.jit
def _sc_aggregate(feature, pk3):
    mesh = plsc.VectorSubcoreMesh(core_axis_name="c", subcore_axis_name="s")
    k = functools.partial(
        pl.kernel,
        mesh=mesh,
        out_type=jax.ShapeDtypeStruct((_NC, _ACC_N, _D), jnp.float32),
        scratch_types=[
            pltpu.VMEM((_NCH, _CH), jnp.int32),
            pltpu.VMEM((2, _CH), jnp.int32),
            pltpu.VMEM((2, _CH), jnp.int32),
            pltpu.VMEM((2, _CH, _D), jnp.float32),
            pltpu.VMEM_SHARED((_ACC_N, _D), jnp.float32),
            pltpu.SemaphoreType.DMA,
            pltpu.SemaphoreType.DMA,
            pltpu.SemaphoreType.DMA,
            pltpu.SemaphoreType.DMA,
        ],
    )(_sc_body)
    return k(feature, pk3)


def _pack_edges(ei3, n_edges):
    def body(e_ref, o_ref):
        e = e_ref[...]
        src = e[0]
        dst = e[1]
        pid = pl.program_id(0)
        first_pad_block = n_edges // (16 * _NCH * _CH)

        @pl.when(pid < first_pad_block)
        def _():
            o_ref[...] = (src | (dst << 16)).reshape(16, _NCH, _CH)

        @pl.when(pid >= first_pad_block)
        def _():
            rows_i = jax.lax.broadcasted_iota(jnp.int32, (16 * _NCH, _CH), 0)
            cols_i = jax.lax.broadcasted_iota(jnp.int32, (16 * _NCH, _CH), 1)
            gid = pid * (16 * _NCH * _CH) + rows_i * _CH + cols_i
            valid = gid < n_edges
            s2 = jnp.where(valid, src, gid % _N_NODES)
            d2 = jnp.where(valid, dst, _DUMMY + gid % (_ACC_N - _N_NODES))
            o_ref[...] = (s2 | (d2 << 16)).reshape(16, _NCH, _CH)

    return pl.pallas_call(
        body,
        grid=(_NW // 16,),
        in_specs=[pl.BlockSpec((2, 16 * _NCH, _CH), lambda i: (0, i, 0))],
        out_specs=pl.BlockSpec((16, _NCH, _CH), lambda i: (i, 0, 0)),
        out_shape=jax.ShapeDtypeStruct((_NW, _NCH, _CH), jnp.int32),
    )(ei3)


def _tc_body(p_ref, wt_ref, b_ref, o_ref):
    x = p_ref[0] + p_ref[1]
    y = jnp.dot(x, wt_ref[...], preferred_element_type=jnp.float32)
    o_ref[...] = jnp.maximum(y + b_ref[...], 0.0)


def _tc_linear(partials, Wt, b2):
    bm = 2000
    return pl.pallas_call(
        _tc_body,
        grid=(_N_NODES // bm,),
        in_specs=[
            pl.BlockSpec((_NC, bm, _D), lambda i: (0, i, 0)),
            pl.BlockSpec((_D, _D), lambda i: (0, 0)),
            pl.BlockSpec((1, _D), lambda i: (0, 0)),
        ],
        out_specs=pl.BlockSpec((bm, _D), lambda i: (i, 0)),
        out_shape=jax.ShapeDtypeStruct((_N_NODES, _D), jnp.float32),
    )(partials, Wt, b2)


def kernel(feature, edge_index, W, b):
    n_edges = edge_index.shape[1]
    ei3 = edge_index.astype(jnp.int32).reshape(2, n_edges // _CH, _CH)
    pk3 = _pack_edges(ei3, n_edges)
    partials = _sc_aggregate(feature, pk3)
    return _tc_linear(partials, W.T, b.reshape(1, _D))

# --- scband reference (transcript-rebuilt; emitter-appended) ---
"""Pipeline reference for scband-gcn-79723182948631 (READ-ONLY COPY).

The authoritative reference and input builder live on the scoring server;
editing this copy changes nothing except your own understanding.
"""

import jax, jax.numpy as jnp
import numpy as np

N_NODES = 10000
N_EDGES = 320000
D_IN = 128
D_OUT = 128


def setup_inputs(seed: int = 0) -> dict:
    key = jax.random.key(seed)
    k1, k2, k3, k4 = jax.random.split(key, 4)
    feature = jax.random.normal(k1, (N_NODES, D_IN), dtype=jnp.float32)
    edge_index = jax.random.randint(k2, (2, N_EDGES), 0, N_NODES, dtype=jnp.int64)
    # nn.Linear(in_feats, out_feats): weight [out, in], bias [out]
    W = jax.random.normal(k3, (D_OUT, D_IN), dtype=jnp.float32) * (1.0 / np.sqrt(D_IN))
    b = jax.random.normal(k4, (D_OUT,), dtype=jnp.float32) * (1.0 / np.sqrt(D_IN))
    return {"feature": feature, "edge_index": edge_index, "W": W, "b": b}


def reference(feature, edge_index, W, b):
    # DGL: msg = copy_src('h'); reduce_sum over incoming edges; then apply ReLU(Linear(h))
    src = edge_index[0]
    dst = edge_index[1]
    msgs = jnp.take(feature, src, axis=0)              # gather: copy_src
    agg = jax.ops.segment_sum(msgs, dst, num_segments=feature.shape[0])  # scatter-add reduce
    h = agg @ W.T + b                                   # NodeApplyModule linear
    h = jax.nn.relu(h)                                  # activation
    return h

if __name__ == "__main__":
    import jax
    _d = setup_inputs()
    print(jax.jit(kernel)(*tuple(_d.values())))

</pallas_src>

<mosaic_0001>
#map = affine_map<(d0, d1) -> (0, 0)>
#map1 = affine_map<(d0, d1) -> (0, 0, 0)>
module attributes {stable_mosaic.version = 14 : i64} {
  func.func @_sc_body(%arg0: i32, %arg1: i32, %arg2: memref<10000x128xf32, #tpu.memory_space<hbm>>, %arg3: memref<32x80x128xi32, #tpu.memory_space<hbm>>, %arg4: memref<2x10240x128xf32, #tpu.memory_space<hbm>>, %arg5: memref<80x128xi32, #tpu.memory_space<vmem>>, %arg6: memref<2x128xi32, #tpu.memory_space<vmem>>, %arg7: memref<2x128xi32, #tpu.memory_space<vmem>>, %arg8: memref<2x128x128xf32, #tpu.memory_space<vmem>>, %arg9: memref<10240x128xf32, #tpu.memory_space<vmem_shared>>, %arg10: memref<!tpu.dma_semaphore, #tpu.memory_space<semaphore_mem>>, %arg11: memref<!tpu.dma_semaphore, #tpu.memory_space<semaphore_mem>>, %arg12: memref<!tpu.dma_semaphore, #tpu.memory_space<semaphore_mem>>, %arg13: memref<!tpu.dma_semaphore, #tpu.memory_space<semaphore_mem>>) attributes {dimension_semantics = [#tpu.dimension_semantics<core_parallel>, #tpu.dimension_semantics<subcore_parallel>], iteration_bounds = array<i64: 2, 16>, scalar_prefetch = 0 : i64, scratch_operands = 9 : i64, tpu.core_type = #tpu.core_type<sc_vector_subcore>, window_params = [{transform_indices = #map}, {transform_indices = #map1}, {transform_indices = #map1}]} {
    %mul3A = arith.constant 16 : i32
    %mul3A_0 = arith.muli %arg0, %mul3A : i32
    %add3A = arith.addi %mul3A_0, %arg1 : i32
    %broadcast_in_dim3A = arith.constant 0.000000e+00 : f32
    %broadcast_in_dim3A_1 = vector.broadcast %broadcast_in_dim3A : f32 to vector<16xf32>
    %scan3A = arith.constant 0 : i32
    %scan3A_2 = arith.constant 0 : i32
    %scan3A_3 = arith.constant 128 : i32
    %scan3A_4 = arith.addi %scan3A_2, %scan3A_3 : i32
    %scan3A_5 = arith.constant 1 : i32
    scf.for %scan3A_440 = %scan3A_2 to %scan3A_4 step %scan3A_5  : i32 {
      %swap3A_441 = arith.constant 0 : i32
      %swap3A_442 = arith.index_cast %swap3A_441 : i32 to index
      %swap3A_443 = arith.index_cast %scan3A_440 : i32 to index
      %swap3A_444 = arith.constant 0 : index
      %swap3A_445 = tpu.vector_load %arg8[%swap3A_442, %swap3A_443, %swap3A_444] {strides = array<i32>} : memref<2x128x128xf32, #tpu.memory_space<vmem>>, vector<1x1x16xf32>,
      %swap3A_446 = vector.shape_cast %swap3A_445 : vector<1x1x16xf32> to vector<16xf32>
      %swap3A_447 = vector.shape_cast %broadcast_in_dim3A_1 : vector<16xf32> to vector<1x1x16xf32>
      tpu.vector_store %arg8[%swap3A_442, %swap3A_443, %swap3A_444], %swap3A_447 {strides = array<i32>} : memref<2x128x128xf32, #tpu.memory_space<vmem>>, vector<1x1x16xf32>,
      %swap3A_448 = arith.constant 0 : i32
      %swap3A_449 = arith.index_cast %swap3A_448 : i32 to index
      %swap3A_450 = arith.index_cast %scan3A_440 : i32 to index
      %swap3A_451 = arith.constant 16 : index
      %swap3A_452 = tpu.vector_load %arg8[%swap3A_449, %swap3A_450, %swap3A_451] {strides = array<i32>} : memref<2x128x128xf32, #tpu.memory_space<vmem>>, vector<1x1x16xf32>,
      %swap3A_453 = vector.shape_cast %swap3A_452 : vector<1x1x16xf32> to vector<16xf32>
      %swap3A_454 = vector.shape_cast %broadcast_in_dim3A_1 : vector<16xf32> to vector<1x1x16xf32>
      tpu.vector_store %arg8[%swap3A_449, %swap3A_450, %swap3A_451], %swap3A_454 {strides = array<i32>} : memref<2x128x128xf32, #tpu.memory_space<vmem>>, vector<1x1x16xf32>,
      %swap3A_455 = arith.constant 0 : i32
      %swap3A_456 = arith.index_cast %swap3A_455 : i32 to index
      %swap3A_457 = arith.index_cast %scan3A_440 : i32 to index
      %swap3A_458 = arith.constant 32 : index
      %swap3A_459 = tpu.vector_load %arg8[%swap3A_456, %swap3A_457, %swap3A_458] {strides = array<i32>} : memref<2x128x128xf32, #tpu.memory_space<vmem>>, vector<1x1x16xf32>,
      %swap3A_460 = vector.shape_cast %swap3A_459 : vector<1x1x16xf32> to vector<16xf32>
      %swap3A_461 = vector.shape_cast %broadcast_in_dim3A_1 : vector<16xf32> to vector<1x1x16xf32>
      tpu.vector_store %arg8[%swap3A_456, %swap3A_457, %swap3A_458], %swap3A_461 {strides = array<i32>} : memref<2x128x128xf32, #tpu.memory_space<vmem>>, vector<1x1x16xf32>,
      %swap3A_462 = arith.constant 0 : i32
      %swap3A_463 = arith.index_cast %swap3A_462 : i32 to index
      %swap3A_464 = arith.index_cast %scan3A_440 : i32 to index
      %swap3A_465 = arith.constant 48 : index
      %swap3A_466 = tpu.vector_load %arg8[%swap3A_463, %swap3A_464, %swap3A_465] {strides = array<i32>} : memref<2x128x128xf32, #tpu.memory_space<vmem>>, vector<1x1x16xf32>,
      %swap3A_467 = vector.shape_cast %swap3A_466 : vector<1x1x16xf32> to vector<16xf32>
      %swap3A_468 = vector.shape_cast %broadcast_in_dim3A_1 : vector<16xf32> to vector<1x1x16xf32>
      tpu.vector_store %arg8[%swap3A_463, %swap3A_464, %swap3A_465], %swap3A_468 {strides = array<i32>} : memref<2x128x128xf32, #tpu.memory_space<vmem>>, vector<1x1x16xf32>,
      %swap3A_469 = arith.constant 0 : i32
      %swap3A_470 = arith.index_cast %swap3A_469 : i32 to index
      %swap3A_471 = arith.index_cast %scan3A_440 : i32 to index
      %swap3A_472 = arith.constant 64 : index
      %swap3A_473 = tpu.vector_load %arg8[%swap3A_470, %swap3A_471, %swap3A_472] {strides = array<i32>} : memref<2x128x128xf32, #tpu.memory_space<vmem>>, vector<1x1x16xf32>,
      %swap3A_474 = vector.shape_cast %swap3A_473 : vector<1x1x16xf32> to vector<16xf32>
      %swap3A_475 = vector.shape_cast %broadcast_in_dim3A_1 : vector<16xf32> to vector<1x1x16xf32>
      tpu.vector_store %arg8[%swap3A_470, %swap3A_471, %swap3A_472], %swap3A_475 {strides = array<i32>} : memref<2x128x128xf32, #tpu.memory_space<vmem>>, vector<1x1x16xf32>,
      %swap3A_476 = arith.constant 0 : i32
      %swap3A_477 = arith.index_cast %swap3A_476 : i32 to index
      %swap3A_478 = arith.index_cast %scan3A_440 : i32 to index
      %swap3A_479 = arith.constant 80 : index
      %swap3A_480 = tpu.vector_load %arg8[%swap3A_477, %swap3A_478, %swap3A_479] {strides = array<i32>} : memref<2x128x128xf32, #tpu.memory_space<vmem>>, vector<1x1x16xf32>,
      %swap3A_481 = vector.shape_cast %swap3A_480 : vector<1x1x16xf32> to vector<16xf32>
      %swap3A_482 = vector.shape_cast %broadcast_in_dim3A_1 : vector<16xf32> to vector<1x1x16xf32>
      tpu.vector_store %arg8[%swap3A_477, %swap3A_478, %swap3A_479], %swap3A_482 {strides = array<i32>} : memref<2x128x128xf32, #tpu.memory_space<vmem>>, vector<1x1x16xf32>,
      %swap3A_483 = arith.constant 0 : i32
      %swap3A_484 = arith.index_cast %swap3A_483 : i32 to index
      %swap3A_485 = arith.index_cast %scan3A_440 : i32 to index
      %swap3A_486 = arith.constant 96 : index
      %swap3A_487 = tpu.vector_load %arg8[%swap3A_484, %swap3A_485, %swap3A_486] {strides = array<i32>} : memref<2x128x128xf32, #tpu.memory_space<vmem>>, vector<1x1x16xf32>,
      %swap3A_488 = vector.shape_cast %swap3A_487 : vector<1x1x16xf32> to vector<16xf32>
      %swap3A_489 = vector.shape_cast %broadcast_in_dim3A_1 : vector<16xf32> to vector<1x1x16xf32>
      tpu.vector_store %arg8[%swap3A_484, %swap3A_485, %swap3A_486], %swap3A_489 {strides = array<i32>} : memref<2x128x128xf32, #tpu.memory_space<vmem>>, vector<1x1x16xf32>,
      %swap3A_490 = arith.constant 0 : i32
      %swap3A_491 = arith.index_cast %swap3A_490 : i32 to index
      %swap3A_492 = arith.index_cast %scan3A_440 : i32 to index
      %swap3A_493 = arith.constant 112 : index
      %swap3A_494 = tpu.vector_load %arg8[%swap3A_491, %swap3A_492, %swap3A_493] {strides = array<i32>} : memref<2x128x128xf32, #tpu.memory_space<vmem>>, vector<1x1x16xf32>,
      %swap3A_495 = vector.shape_cast %swap3A_494 : vector<1x1x16xf32> to vector<16xf32>
      %swap3A_496 = vector.shape_cast %broadcast_in_dim3A_1 : vector<16xf32> to vector<1x1x16xf32>
      tpu.vector_store %arg8[%swap3A_491, %swap3A_492, %swap3A_493], %swap3A_496 {strides = array<i32>} : memref<2x128x128xf32, #tpu.memory_space<vmem>>, vector<1x1x16xf32>,
    }
    %scan3A_6 = arith.constant 128 : i32
    %mul3A_7 = arith.constant 640 : i32
    %mul3A_8 = arith.muli %arg1, %mul3A_7 : i32
    %add3A_9 = arith.constant 0 : i32
    %add3A_10 = arith.addi %mul3A_8, %add3A_9 : i32
    %run_scoped3A = arith.constant 0 : i32
    "tpu.region"() ({
      %run_scoped3A_440 = tpu.sem_alloc : memref<!tpu.dma_semaphore, #tpu.memory_space<semaphore_mem>>
      %dma_start3A_441 = arith.constant 0 : i32
      %dma_start3A_442 = arith.constant 0 : i32
      %dma_start3A_443 = tpu.memref_slice %arg8[%run_scoped3A, %dma_start3A_441, %dma_start3A_442] : memref<2x128x128xf32, #tpu.memory_space<vmem>> -> memref<1x128x128xf32, #tpu.memory_space<vmem>>
      %dma_start3A_444 = tpu.memref_squeeze %dma_start3A_443 : memref<1x128x128xf32, #tpu.memory_space<vmem>> -> memref<128x128xf32, #tpu.memory_space<vmem>>
      %dma_start3A_445 = arith.constant 0 : i32
      %dma_start3A_446 = tpu.memref_slice %arg9[%add3A_10, %dma_start3A_445] : memref<10240x128xf32, #tpu.memory_space<vmem_shared>> -> memref<128x128xf32, #tpu.memory_space<vmem_shared>>
      %dma_start3A_447 = arith.constant 0 : i32
      %dma_start3A_448 = tpu.memref_slice %arg9[%add3A_10, %dma_start3A_447] : memref<10240x128xf32, #tpu.memory_space<vmem_shared>> -> memref<128x128xf32, #tpu.memory_space<vmem_shared>>
      %dma_start3A_449 = arith.constant 0 : i32
      %dma_start3A_450 = arith.constant 0 : i32
      %dma_start3A_451 = tpu.memref_slice %arg8[%run_scoped3A, %dma_start3A_449, %dma_start3A_450] : memref<2x128x128xf32, #tpu.memory_space<vmem>> -> memref<1x128x128xf32, #tpu.memory_space<vmem>>
      %dma_start3A_452 = tpu.memref_squeeze %dma_start3A_451 : memref<1x128x128xf32, #tpu.memory_space<vmem>> -> memref<128x128xf32, #tpu.memory_space<vmem>>
      tpu.enqueue_dma source(%dma_start3A_452 : memref<128x128xf32, #tpu.memory_space<vmem>>) target(%dma_start3A_448 : memref<128x128xf32, #tpu.memory_space<vmem_shared>>) target_semaphore(%run_scoped3A_440 : memref<!tpu.dma_semaphore, #tpu.memory_space<semaphore_mem>>)
      %dma_wait3A_453 = arith.constant 0 : i32
      %dma_wait3A_454 = arith.constant 0 : i32
      %dma_wait3A_455 = tpu.memref_slice %arg8[%run_scoped3A, %dma_wait3A_453, %dma_wait3A_454] : memref<2x128x128xf32, #tpu.memory_space<vmem>> -> memref<1x128x128xf32, #tpu.memory_space<vmem>>
      %dma_wait3A_456 = tpu.memref_squeeze %dma_wait3A_455 : memref<1x128x128xf32, #tpu.memory_space<vmem>> -> memref<128x128xf32, #tpu.memory_space<vmem>>
      %dma_wait3A_457 = arith.constant 0 : i32
      %dma_wait3A_458 = tpu.memref_slice %arg9[%add3A_10, %dma_wait3A_457] : memref<10240x128xf32, #tpu.memory_space<vmem_shared>> -> memref<128x128xf32, #tpu.memory_space<vmem_shared>>
      %dma_wait3A_459 = arith.constant 0 : i32
      %dma_wait3A_460 = tpu.memref_slice %arg9[%add3A_10, %dma_wait3A_459] : memref<10240x128xf32, #tpu.memory_space<vmem_shared>> -> memref<128x128xf32, #tpu.memory_space<vmem_shared>>
      %dma_wait3A_461 = arith.constant 0 : i32
      %dma_wait3A_462 = arith.constant 0 : i32
      %dma_wait3A_463 = tpu.memref_slice %arg8[%run_scoped3A, %dma_wait3A_461, %dma_wait3A_462] : memref<2x128x128xf32, #tpu.memory_space<vmem>> -> memref<1x128x128xf32, #tpu.memory_space<vmem>>
      %dma_wait3A_464 = tpu.memref_squeeze %dma_wait3A_463 : memref<1x128x128xf32, #tpu.memory_space<vmem>> -> memref<128x128xf32, #tpu.memory_space<vmem>>
      tpu.wait_dma2 semaphore(%run_scoped3A_440 : memref<!tpu.dma_semaphore, #tpu.memory_space<semaphore_mem>>) src(%dma_wait3A_464 : memref<128x128xf32, #tpu.memory_space<vmem>>) dst(%dma_wait3A_460 : memref<128x128xf32, #tpu.memory_space<vmem_shared>>)
      tpu.yield
    }) : () -> ()
    %add3A_11 = arith.constant 128 : i32
    %add3A_12 = arith.addi %mul3A_8, %add3A_11 : i32
    %run_scoped3A_13 = arith.constant 0 : i32
    "tpu.region"() ({
      %run_scoped3A_440 = tpu.sem_alloc : memref<!tpu.dma_semaphore, #tpu.memory_space<semaphore_mem>>
      %dma_start3A_441 = arith.constant 0 : i32
      %dma_start3A_442 = arith.constant 0 : i32
      %dma_start3A_443 = tpu.memref_slice %arg8[%run_scoped3A_13, %dma_start3A_441, %dma_start3A_442] : memref<2x128x128xf32, #tpu.memory_space<vmem>> -> memref<1x128x128xf32, #tpu.memory_space<vmem>>
      %dma_start3A_444 = tpu.memref_squeeze %dma_start3A_443 : memref<1x128x128xf32, #tpu.memory_space<vmem>> -> memref<128x128xf32, #tpu.memory_space<vmem>>
      %dma_start3A_445 = arith.constant 0 : i32
      %dma_start3A_446 = tpu.memref_slice %arg9[%add3A_12, %dma_start3A_445] : memref<10240x128xf32, #tpu.memory_space<vmem_shared>> -> memref<128x128xf32, #tpu.memory_space<vmem_shared>>
      %dma_start3A_447 = arith.constant 0 : i32
      %dma_start3A_448 = tpu.memref_slice %arg9[%add3A_12, %dma_start3A_447] : memref<10240x128xf32, #tpu.memory_space<vmem_shared>> -> memref<128x128xf32, #tpu.memory_space<vmem_shared>>
      %dma_start3A_449 = arith.constant 0 : i32
      %dma_start3A_450 = arith.constant 0 : i32
      %dma_start3A_451 = tpu.memref_slice %arg8[%run_scoped3A_13, %dma_start3A_449, %dma_start3A_450] : memref<2x128x128xf32, #tpu.memory_space<vmem>> -> memref<1x128x128xf32, #tpu.memory_space<vmem>>
      %dma_start3A_452 = tpu.memref_squeeze %dma_start3A_451 : memref<1x128x128xf32, #tpu.memory_space<vmem>> -> memref<128x128xf32, #tpu.memory_space<vmem>>
      tpu.enqueue_dma source(%dma_start3A_452 : memref<128x128xf32, #tpu.memory_space<vmem>>) target(%dma_start3A_448 : memref<128x128xf32, #tpu.memory_space<vmem_shared>>) target_semaphore(%run_scoped3A_440 : memref<!tpu.dma_semaphore, #tpu.memory_space<semaphore_mem>>)
      %dma_wait3A_453 = arith.constant 0 : i32
      %dma_wait3A_454 = arith.constant 0 : i32
      %dma_wait3A_455 = tpu.memref_slice %arg8[%run_scoped3A_13, %dma_wait3A_453, %dma_wait3A_454] : memref<2x128x128xf32, #tpu.memory_space<vmem>> -> memref<1x128x128xf32, #tpu.memory_space<vmem>>
      %dma_wait3A_456 = tpu.memref_squeeze %dma_wait3A_455 : memref<1x128x128xf32, #tpu.memory_space<vmem>> -> memref<128x128xf32, #tpu.memory_space<vmem>>
      %dma_wait3A_457 = arith.constant 0 : i32
      %dma_wait3A_458 = tpu.memref_slice %arg9[%add3A_12, %dma_wait3A_457] : memref<10240x128xf32, #tpu.memory_space<vmem_shared>> -> memref<128x128xf32, #tpu.memory_space<vmem_shared>>
      %dma_wait3A_459 = arith.constant 0 : i32
      %dma_wait3A_460 = tpu.memref_slice %arg9[%add3A_12, %dma_wait3A_459] : memref<10240x128xf32, #tpu.memory_space<vmem_shared>> -> memref<128x128xf32, #tpu.memory_space<vmem_shared>>
      %dma_wait3A_461 = arith.constant 0 : i32
      %dma_wait3A_462 = arith.constant 0 : i32
      %dma_wait3A_463 = tpu.memref_slice %arg8[%run_scoped3A_13, %dma_wait3A_461, %dma_wait3A_462] : memref<2x128x128xf32, #tpu.memory_space<vmem>> -> memref<1x128x128xf32, #tpu.memory_space<vmem>>
      %dma_wait3A_464 = tpu.memref_squeeze %dma_wait3A_463 : memref<1x128x128xf32, #tpu.memory_space<vmem>> -> memref<128x128xf32, #tpu.memory_space<vmem>>
      tpu.wait_dma2 semaphore(%run_scoped3A_440 : memref<!tpu.dma_semaphore, #tpu.memory_space<semaphore_mem>>) src(%dma_wait3A_464 : memref<128x128xf32, #tpu.memory_space<vmem>>) dst(%dma_wait3A_460 : memref<128x128xf32, #tpu.memory_space<vmem_shared>>)
      tpu.yield
    }) : () -> ()
    %add3A_14 = arith.constant 256 : i32
    %add3A_15 = arith.addi %mul3A_8, %add3A_14 : i32
    %run_scoped3A_16 = arith.constant 0 : i32
    "tpu.region"() ({
      %run_scoped3A_440 = tpu.sem_alloc : memref<!tpu.dma_semaphore, #tpu.memory_space<semaphore_mem>>
      %dma_start3A_441 = arith.constant 0 : i32
      %dma_start3A_442 = arith.constant 0 : i32
      %dma_start3A_443 = tpu.memref_slice %arg8[%run_scoped3A_16, %dma_start3A_441, %dma_start3A_442] : memref<2x128x128xf32, #tpu.memory_space<vmem>> -> memref<1x128x128xf32, #tpu.memory_space<vmem>>
      %dma_start3A_444 = tpu.memref_squeeze %dma_start3A_443 : memref<1x128x128xf32, #tpu.memory_space<vmem>> -> memref<128x128xf32, #tpu.memory_space<vmem>>
      %dma_start3A_445 = arith.constant 0 : i32
      %dma_start3A_446 = tpu.memref_slice %arg9[%add3A_15, %dma_start3A_445] : memref<10240x128xf32, #tpu.memory_space<vmem_shared>> -> memref<128x128xf32, #tpu.memory_space<vmem_shared>>
      %dma_start3A_447 = arith.constant 0 : i32
      %dma_start3A_448 = tpu.memref_slice %arg9[%add3A_15, %dma_start3A_447] : memref<10240x128xf32, #tpu.memory_space<vmem_shared>> -> memref<128x128xf32, #tpu.memory_space<vmem_shared>>
      %dma_start3A_449 = arith.constant 0 : i32
      %dma_start3A_450 = arith.constant 0 : i32
      %dma_start3A_451 = tpu.memref_slice %arg8[%run_scoped3A_16, %dma_start3A_449, %dma_start3A_450] : memref<2x128x128xf32, #tpu.memory_space<vmem>> -> memref<1x128x128xf32, #tpu.memory_space<vmem>>
      %dma_start3A_452 = tpu.memref_squeeze %dma_start3A_451 : memref<1x128x128xf32, #tpu.memory_space<vmem>> -> memref<128x128xf32, #tpu.memory_space<vmem>>
      tpu.enqueue_dma source(%dma_start3A_452 : memref<128x128xf32, #tpu.memory_space<vmem>>) target(%dma_start3A_448 : memref<128x128xf32, #tpu.memory_space<vmem_shared>>) target_semaphore(%run_scoped3A_440 : memref<!tpu.dma_semaphore, #tpu.memory_space<semaphore_mem>>)
      %dma_wait3A_453 = arith.constant 0 : i32
      %dma_wait3A_454 = arith.constant 0 : i32
      %dma_wait3A_455 = tpu.memref_slice %arg8[%run_scoped3A_16, %dma_wait3A_453, %dma_wait3A_454] : memref<2x128x128xf32, #tpu.memory_space<vmem>> -> memref<1x128x128xf32, #tpu.memory_space<vmem>>
      %dma_wait3A_456 = tpu.memref_squeeze %dma_wait3A_455 : memref<1x128x128xf32, #tpu.memory_space<vmem>> -> memref<128x128xf32, #tpu.memory_space<vmem>>
      %dma_wait3A_457 = arith.constant 0 : i32
      %dma_wait3A_458 = tpu.memref_slice %arg9[%add3A_15, %dma_wait3A_457] : memref<10240x128xf32, #tpu.memory_space<vmem_shared>> -> memref<128x128xf32, #tpu.memory_space<vmem_shared>>
      %dma_wait3A_459 = arith.constant 0 : i32
      %dma_wait3A_460 = tpu.memref_slice %arg9[%add3A_15, %dma_wait3A_459] : memref<10240x128xf32, #tpu.memory_space<vmem_shared>> -> memref<128x128xf32, #tpu.memory_space<vmem_shared>>
      %dma_wait3A_461 = arith.constant 0 : i32
      %dma_wait3A_462 = arith.constant 0 : i32
      %dma_wait3A_463 = tpu.memref_slice %arg8[%run_scoped3A_16, %dma_wait3A_461, %dma_wait3A_462] : memref<2x128x128xf32, #tpu.memory_space<vmem>> -> memref<1x128x128xf32, #tpu.memory_space<vmem>>
      %dma_wait3A_464 = tpu.memref_squeeze %dma_wait3A_463 : memref<1x128x128xf32, #tpu.memory_space<vmem>> -> memref<128x128xf32, #tpu.memory_space<vmem>>
      tpu.wait_dma2 semaphore(%run_scoped3A_440 : memref<!tpu.dma_semaphore, #tpu.memory_space<semaphore_mem>>) src(%dma_wait3A_464 : memref<128x128xf32, #tpu.memory_space<vmem>>) dst(%dma_wait3A_460 : memref<128x128xf32, #tpu.memory_space<vmem_shared>>)
      tpu.yield
    }) : () -> ()
    %add3A_17 = arith.constant 384 : i32
    %add3A_18 = arith.addi %mul3A_8, %add3A_17 : i32
    %run_scoped3A_19 = arith.constant 0 : i32
    "tpu.region"() ({
      %run_scoped3A_440 = tpu.sem_alloc : memref<!tpu.dma_semaphore, #tpu.memory_space<semaphore_mem>>
      %dma_start3A_441 = arith.constant 0 : i32
      %dma_start3A_442 = arith.constant 0 : i32
      %dma_start3A_443 = tpu.memref_slice %arg8[%run_scoped3A_19, %dma_start3A_441, %dma_start3A_442] : memref<2x128x128xf32, #tpu.memory_space<vmem>> -> memref<1x128x128xf32, #tpu.memory_space<vmem>>
      %dma_start3A_444 = tpu.memref_squeeze %dma_start3A_443 : memref<1x128x128xf32, #tpu.memory_space<vmem>> -> memref<128x128xf32, #tpu.memory_space<vmem>>
      %dma_start3A_445 = arith.constant 0 : i32
      %dma_start3A_446 = tpu.memref_slice %arg9[%add3A_18, %dma_start3A_445] : memref<10240x128xf32, #tpu.memory_space<vmem_shared>> -> memref<128x128xf32, #tpu.memory_space<vmem_shared>>
      %dma_start3A_447 = arith.constant 0 : i32
      %dma_start3A_448 = tpu.memref_slice %arg9[%add3A_18, %dma_start3A_447] : memref<10240x128xf32, #tpu.memory_space<vmem_shared>> -> memref<128x128xf32, #tpu.memory_space<vmem_shared>>
      %dma_start3A_449 = arith.constant 0 : i32
      %dma_start3A_450 = arith.constant 0 : i32
      %dma_start3A_451 = tpu.memref_slice %arg8[%run_scoped3A_19, %dma_start3A_449, %dma_start3A_450] : memref<2x128x128xf32, #tpu.memory_space<vmem>> -> memref<1x128x128xf32, #tpu.memory_space<vmem>>
      %dma_start3A_452 = tpu.memref_squeeze %dma_start3A_451 : memref<1x128x128xf32, #tpu.memory_space<vmem>> -> memref<128x128xf32, #tpu.memory_space<vmem>>
      tpu.enqueue_dma source(%dma_start3A_452 : memref<128x128xf32, #tpu.memory_space<vmem>>) target(%dma_start3A_448 : memref<128x128xf32, #tpu.memory_space<vmem_shared>>) target_semaphore(%run_scoped3A_440 : memref<!tpu.dma_semaphore, #tpu.memory_space<semaphore_mem>>)
      %dma_wait3A_453 = arith.constant 0 : i32
      %dma_wait3A_454 = arith.constant 0 : i32
      %dma_wait3A_455 = tpu.memref_slice %arg8[%run_scoped3A_19, %dma_wait3A_453, %dma_wait3A_454] : memref<2x128x128xf32, #tpu.memory_space<vmem>> -> memref<1x128x128xf32, #tpu.memory_space<vmem>>
      %dma_wait3A_456 = tpu.memref_squeeze %dma_wait3A_455 : memref<1x128x128xf32, #tpu.memory_space<vmem>> -> memref<128x128xf32, #tpu.memory_space<vmem>>
      %dma_wait3A_457 = arith.constant 0 : i32
      %dma_wait3A_458 = tpu.memref_slice %arg9[%add3A_18, %dma_wait3A_457] : memref<10240x128xf32, #tpu.memory_space<vmem_shared>> -> memref<128x128xf32, #tpu.memory_space<vmem_shared>>
      %dma_wait3A_459 = arith.constant 0 : i32
      %dma_wait3A_460 = tpu.memref_slice %arg9[%add3A_18, %dma_wait3A_459] : memref<10240x128xf32, #tpu.memory_space<vmem_shared>> -> memref<128x128xf32, #tpu.memory_space<vmem_shared>>
      %dma_wait3A_461 = arith.constant 0 : i32
      %dma_wait3A_462 = arith.constant 0 : i32
      %dma_wait3A_463 = tpu.memref_slice %arg8[%run_scoped3A_19, %dma_wait3A_461, %dma_wait3A_462] : memref<2x128x128xf32, #tpu.memory_space<vmem>> -> memref<1x128x128xf32, #tpu.memory_space<vmem>>
      %dma_wait3A_464 = tpu.memref_squeeze %dma_wait3A_463 : memref<1x128x128xf32, #tpu.memory_space<vmem>> -> memref<128x128xf32, #tpu.memory_space<vmem>>
      tpu.wait_dma2 semaphore(%run_scoped3A_440 : memref<!tpu.dma_semaphore, #tpu.memory_space<semaphore_mem>>) src(%dma_wait3A_464 : memref<128x128xf32, #tpu.memory_space<vmem>>) dst(%dma_wait3A_460 : memref<128x128xf32, #tpu.memory_space<vmem_shared>>)
      tpu.yield
    }) : () -> ()
    %add3A_20 = arith.constant 512 : i32
    %add3A_21 = arith.addi %mul3A_8, %add3A_20 : i32
    %run_scoped3A_22 = arith.constant 0 : i32
    "tpu.region"() ({
      %run_scoped3A_440 = tpu.sem_alloc : memref<!tpu.dma_semaphore, #tpu.memory_space<semaphore_mem>>
      %dma_start3A_441 = arith.constant 0 : i32
      %dma_start3A_442 = arith.constant 0 : i32
      %dma_start3A_443 = tpu.memref_slice %arg8[%run_scoped3A_22, %dma_start3A_441, %dma_start3A_442] : memref<2x128x128xf32, #tpu.memory_space<vmem>> -> memref<1x128x128xf32, #tpu.memory_space<vmem>>
      %dma_start3A_444 = tpu.memref_squeeze %dma_start3A_443 : memref<1x128x128xf32, #tpu.memory_space<vmem>> -> memref<128x128xf32, #tpu.memory_space<vmem>>
      %dma_start3A_445 = arith.constant 0 : i32
      %dma_start3A_446 = tpu.memref_slice %arg9[%add3A_21, %dma_start3A_445] : memref<10240x128xf32, #tpu.memory_space<vmem_shared>> -> memref<128x128xf32, #tpu.memory_space<vmem_shared>>
      %dma_start3A_447 = arith.constant 0 : i32
      %dma_start3A_448 = tpu.memref_slice %arg9[%add3A_21, %dma_start3A_447] : memref<10240x128xf32, #tpu.memory_space<vmem_shared>> -> memref<128x128xf32, #tpu.memory_space<vmem_shared>>
      %dma_start3A_449 = arith.constant 0 : i32
      %dma_start3A_450 = arith.constant 0 : i32
      %dma_start3A_451 = tpu.memref_slice %arg8[%run_scoped3A_22, %dma_start3A_449, %dma_start3A_450] : memref<2x128x128xf32, #tpu.memory_space<vmem>> -> memref<1x128x128xf32, #tpu.memory_space<vmem>>
      %dma_start3A_452 = tpu.memref_squeeze %dma_start3A_451 : memref<1x128x128xf32, #tpu.memory_space<vmem>> -> memref<128x128xf32, #tpu.memory_space<vmem>>
      tpu.enqueue_dma source(%dma_start3A_452 : memref<128x128xf32, #tpu.memory_space<vmem>>) target(%dma_start3A_448 : memref<128x128xf32, #tpu.memory_space<vmem_shared>>) target_semaphore(%run_scoped3A_440 : memref<!tpu.dma_semaphore, #tpu.memory_space<semaphore_mem>>)
      %dma_wait3A_453 = arith.constant 0 : i32
      %dma_wait3A_454 = arith.constant 0 : i32
      %dma_wait3A_455 = tpu.memref_slice %arg8[%run_scoped3A_22, %dma_wait3A_453, %dma_wait3A_454] : memref<2x128x128xf32, #tpu.memory_space<vmem>> -> memref<1x128x128xf32, #tpu.memory_space<vmem>>
      %dma_wait3A_456 = tpu.memref_squeeze %dma_wait3A_455 : memref<1x128x128xf32, #tpu.memory_space<vmem>> -> memref<128x128xf32, #tpu.memory_space<vmem>>
      %dma_wait3A_457 = arith.constant 0 : i32
      %dma_wait3A_458 = tpu.memref_slice %arg9[%add3A_21, %dma_wait3A_457] : memref<10240x128xf32, #tpu.memory_space<vmem_shared>> -> memref<128x128xf32, #tpu.memory_space<vmem_shared>>
      %dma_wait3A_459 = arith.constant 0 : i32
      %dma_wait3A_460 = tpu.memref_slice %arg9[%add3A_21, %dma_wait3A_459] : memref<10240x128xf32, #tpu.memory_space<vmem_shared>> -> memref<128x128xf32, #tpu.memory_space<vmem_shared>>
      %dma_wait3A_461 = arith.constant 0 : i32
      %dma_wait3A_462 = arith.constant 0 : i32
      %dma_wait3A_463 = tpu.memref_slice %arg8[%run_scoped3A_22, %dma_wait3A_461, %dma_wait3A_462] : memref<2x128x128xf32, #tpu.memory_space<vmem>> -> memref<1x128x128xf32, #tpu.memory_space<vmem>>
      %dma_wait3A_464 = tpu.memref_squeeze %dma_wait3A_463 : memref<1x128x128xf32, #tpu.memory_space<vmem>> -> memref<128x128xf32, #tpu.memory_space<vmem>>
      tpu.wait_dma2 semaphore(%run_scoped3A_440 : memref<!tpu.dma_semaphore, #tpu.memory_space<semaphore_mem>>) src(%dma_wait3A_464 : memref<128x128xf32, #tpu.memory_space<vmem>>) dst(%dma_wait3A_460 : memref<128x128xf32, #tpu.memory_space<vmem_shared>>)
      tpu.yield
    }) : () -> ()
    %barrier3A = arith.constant 0 : index
    tpu.barrier barrier_id(%barrier3A)
    "tpu.region"() ({
      %run_scoped3A_440 = tpu.sem_alloc : memref<!tpu.dma_semaphore, #tpu.memory_space<semaphore_mem>>
      %dma_start3A_441 = arith.constant 0 : i32
      %dma_start3A_442 = arith.constant 0 : i32
      %dma_start3A_443 = tpu.memref_slice %arg3[%add3A, %dma_start3A_441, %dma_start3A_442] : memref<32x80x128xi32, #tpu.memory_space<hbm>> -> memref<1x80x128xi32, #tpu.memory_space<hbm>>
      %dma_start3A_444 = tpu.memref_squeeze %dma_start3A_443 : memref<1x80x128xi32, #tpu.memory_space<hbm>> -> memref<80x128xi32, #tpu.memory_space<hbm>>
      %dma_start3A_445 = arith.constant 0 : i32
      %dma_start3A_446 = arith.constant 0 : i32
      %dma_start3A_447 = tpu.memref_slice %arg3[%add3A, %dma_start3A_445, %dma_start3A_446] : memref<32x80x128xi32, #tpu.memory_space<hbm>> -> memref<1x80x128xi32, #tpu.memory_space<hbm>>
      %dma_start3A_448 = tpu.memref_squeeze %dma_start3A_447 : memref<1x80x128xi32, #tpu.memory_space<hbm>> -> memref<80x128xi32, #tpu.memory_space<hbm>>
      tpu.enqueue_dma source(%dma_start3A_448 : memref<80x128xi32, #tpu.memory_space<hbm>>) target(%arg5 : memref<80x128xi32, #tpu.memory_space<vmem>>) target_semaphore(%run_scoped3A_440 : memref<!tpu.dma_semaphore, #tpu.memory_space<semaphore_mem>>)
      %dma_wait3A_449 = arith.constant 0 : i32
      %dma_wait3A_450 = arith.constant 0 : i32
      %dma_wait3A_451 = tpu.memref_slice %arg3[%add3A, %dma_wait3A_449, %dma_wait3A_450] : memref<32x80x128xi32, #tpu.memory_space<hbm>> -> memref<1x80x128xi32, #tpu.memory_space<hbm>>
      %dma_wait3A_452 = tpu.memref_squeeze %dma_wait3A_451 : memref<1x80x128xi32, #tpu.memory_space<hbm>> -> memref<80x128xi32, #tpu.memory_space<hbm>>
      %dma_wait3A_453 = arith.constant 0 : i32
      %dma_wait3A_454 = arith.constant 0 : i32
      %dma_wait3A_455 = tpu.memref_slice %arg3[%add3A, %dma_wait3A_453, %dma_wait3A_454] : memref<32x80x128xi32, #tpu.memory_space<hbm>> -> memref<1x80x128xi32, #tpu.memory_space<hbm>>
      %dma_wait3A_456 = tpu.memref_squeeze %dma_wait3A_455 : memref<1x80x128xi32, #tpu.memory_space<hbm>> -> memref<80x128xi32, #tpu.memory_space<hbm>>
      tpu.wait_dma2 semaphore(%run_scoped3A_440 : memref<!tpu.dma_semaphore, #tpu.memory_space<semaphore_mem>>) src(%dma_wait3A_456 : memref<80x128xi32, #tpu.memory_space<hbm>>) dst(%arg5 : memref<80x128xi32, #tpu.memory_space<vmem>>)
      tpu.yield
    }) : () -> ()
    %get3A = arith.constant 0 : i32
    %get3A_23 = arith.index_cast %get3A : i32 to index
    %get3A_24 = arith.constant 0 : index
    %get3A_25 = tpu.vector_load %arg5[%get3A_23, %get3A_24] {strides = array<i32>} : memref<80x128xi32, #tpu.memory_space<vmem>>, vector<1x16xi32>,
    %get3A_26 = vector.shape_cast %get3A_25 : vector<1x16xi32> to vector<16xi32>
    %and3A = arith.constant 65535 : i32
    %and3A_27 = vector.broadcast %and3A : i32 to vector<16xi32>
    %and3A_28 = arith.andi %get3A_26, %and3A_27 : vector<16xi32>
    %swap3A = arith.constant 0 : i32
    %swap3A_29 = arith.index_cast %swap3A : i32 to index
    %swap3A_30 = arith.constant 0 : index
    %swap3A_31 = tpu.vector_load %arg6[%swap3A_29, %swap3A_30] {strides = array<i32>} : memref<2x128xi32, #tpu.memory_space<vmem>>, vector<1x16xi32>,
    %swap3A_32 = vector.shape_cast %swap3A_31 : vector<1x16xi32> to vector<16xi32>
    %swap3A_33 = vector.shape_cast %and3A_28 : vector<16xi32> to vector<1x16xi32>
    tpu.vector_store %arg6[%swap3A_29, %swap3A_30], %swap3A_33 {strides = array<i32>} : memref<2x128xi32, #tpu.memory_space<vmem>>, vector<1x16xi32>,
    %shift_right_arithmetic3A = arith.constant 16 : i32
    %shift_right_arithmetic3A_34 = vector.broadcast %shift_right_arithmetic3A : i32 to vector<16xi32>
    %shift_right_arithmetic3A_35 = arith.shrsi %get3A_26, %shift_right_arithmetic3A_34 : vector<16xi32>
    %swap3A_36 = arith.constant 0 : i32
    %swap3A_37 = arith.index_cast %swap3A_36 : i32 to index
    %swap3A_38 = arith.constant 0 : index
    %swap3A_39 = tpu.vector_load %arg7[%swap3A_37, %swap3A_38] {strides = array<i32>} : memref<2x128xi32, #tpu.memory_space<vmem>>, vector<1x16xi32>,
    %swap3A_40 = vector.shape_cast %swap3A_39 : vector<1x16xi32> to vector<16xi32>
    %swap3A_41 = vector.shape_cast %shift_right_arithmetic3A_35 : vector<16xi32> to vector<1x16xi32>
    tpu.vector_store %arg7[%swap3A_37, %swap3A_38], %swap3A_41 {strides = array<i32>} : memref<2x128xi32, #tpu.memory_space<vmem>>, vector<1x16xi32>,
    %get3A_42 = arith.constant 0 : i32
    %get3A_43 = arith.index_cast %get3A_42 : i32 to index
    %get3A_44 = arith.constant 16 : index
    %get3A_45 = tpu.vector_load %arg5[%get3A_43, %get3A_44] {strides = array<i32>} : memref<80x128xi32, #tpu.memory_space<vmem>>, vector<1x16xi32>,
    %get3A_46 = vector.shape_cast %get3A_45 : vector<1x16xi32> to vector<16xi32>
    %and3A_47 = arith.constant 65535 : i32
    %and3A_48 = vector.broadcast %and3A_47 : i32 to vector<16xi32>
    %and3A_49 = arith.andi %get3A_46, %and3A_48 : vector<16xi32>
    %swap3A_50 = arith.constant 0 : i32
    %swap3A_51 = arith.index_cast %swap3A_50 : i32 to index
    %swap3A_52 = arith.constant 16 : index
    %swap3A_53 = tpu.vector_load %arg6[%swap3A_51, %swap3A_52] {strides = array<i32>} : memref<2x128xi32, #tpu.memory_space<vmem>>, vector<1x16xi32>,
    %swap3A_54 = vector.shape_cast %swap3A_53 : vector<1x16xi32> to vector<16xi32>
    %swap3A_55 = vector.shape_cast %and3A_49 : vector<16xi32> to vector<1x16xi32>
    tpu.vector_store %arg6[%swap3A_51, %swap3A_52], %swap3A_55 {strides = array<i32>} : memref<2x128xi32, #tpu.memory_space<vmem>>, vector<1x16xi32>,
    %shift_right_arithmetic3A_56 = arith.constant 16 : i32
    %shift_right_arithmetic3A_57 = vector.broadcast %shift_right_arithmetic3A_56 : i32 to vector<16xi32>
    %shift_right_arithmetic3A_58 = arith.shrsi %get3A_46, %shift_right_arithmetic3A_57 : vector<16xi32>
    %swap3A_59 = arith.constant 0 : i32
    %swap3A_60 = arith.index_cast %swap3A_59 : i32 to index
    %swap3A_61 = arith.constant 16 : index
    %swap3A_62 = tpu.vector_load %arg7[%swap3A_60, %swap3A_61] {strides = array<i32>} : memref<2x128xi32, #tpu.memory_space<vmem>>, vector<1x16xi32>,
    %swap3A_63 = vector.shape_cast %swap3A_62 : vector<1x16xi32> to vector<16xi32>
    %swap3A_64 = vector.shape_cast %shift_right_arithmetic3A_58 : vector<16xi32> to vector<1x16xi32>
    tpu.vector_store %arg7[%swap3A_60, %swap3A_61], %swap3A_64 {strides = array<i32>} : memref<2x128xi32, #tpu.memory_space<vmem>>, vector<1x16xi32>,
    %get3A_65 = arith.constant 0 : i32
    %get3A_66 = arith.index_cast %get3A_65 : i32 to index
    %get3A_67 = arith.constant 32 : index
    %get3A_68 = tpu.vector_load %arg5[%get3A_66, %get3A_67] {strides = array<i32>} : memref<80x128xi32, #tpu.memory_space<vmem>>, vector<1x16xi32>,
    %get3A_69 = vector.shape_cast %get3A_68 : vector<1x16xi32> to vector<16xi32>
    %and3A_70 = arith.constant 65535 : i32
    %and3A_71 = vector.broadcast %and3A_70 : i32 to vector<16xi32>
    %and3A_72 = arith.andi %get3A_69, %and3A_71 : vector<16xi32>
    %swap3A_73 = arith.constant 0 : i32
    %swap3A_74 = arith.index_cast %swap3A_73 : i32 to index
    %swap3A_75 = arith.constant 32 : index
    %swap3A_76 = tpu.vector_load %arg6[%swap3A_74, %swap3A_75] {strides = array<i32>} : memref<2x128xi32, #tpu.memory_space<vmem>>, vector<1x16xi32>,
    %swap3A_77 = vector.shape_cast %swap3A_76 : vector<1x16xi32> to vector<16xi32>
    %swap3A_78 = vector.shape_cast %and3A_72 : vector<16xi32> to vector<1x16xi32>
    tpu.vector_store %arg6[%swap3A_74, %swap3A_75], %swap3A_78 {strides = array<i32>} : memref<2x128xi32, #tpu.memory_space<vmem>>, vector<1x16xi32>,
    %shift_right_arithmetic3A_79 = arith.constant 16 : i32
    %shift_right_arithmetic3A_80 = vector.broadcast %shift_right_arithmetic3A_79 : i32 to vector<16xi32>
    %shift_right_arithmetic3A_81 = arith.shrsi %get3A_69, %shift_right_arithmetic3A_80 : vector<16xi32>
    %swap3A_82 = arith.constant 0 : i32
    %swap3A_83 = arith.index_cast %swap3A_82 : i32 to index
    %swap3A_84 = arith.constant 32 : index
    %swap3A_85 = tpu.vector_load %arg7[%swap3A_83, %swap3A_84] {strides = array<i32>} : memref<2x128xi32, #tpu.memory_space<vmem>>, vector<1x16xi32>,
    %swap3A_86 = vector.shape_cast %swap3A_85 : vector<1x16xi32> to vector<16xi32>
    %swap3A_87 = vector.shape_cast %shift_right_arithmetic3A_81 : vector<16xi32> to vector<1x16xi32>
    tpu.vector_store %arg7[%swap3A_83, %swap3A_84], %swap3A_87 {strides = array<i32>} : memref<2x128xi32, #tpu.memory_space<vmem>>, vector<1x16xi32>,
    %get3A_88 = arith.constant 0 : i32
    %get3A_89 = arith.index_cast %get3A_88 : i32 to index
    %get3A_90 = arith.constant 48 : index
    %get3A_91 = tpu.vector_load %arg5[%get3A_89, %get3A_90] {strides = array<i32>} : memref<80x128xi32, #tpu.memory_space<vmem>>, vector<1x16xi32>,
    %get3A_92 = vector.shape_cast %get3A_91 : vector<1x16xi32> to vector<16xi32>
    %and3A_93 = arith.constant 65535 : i32
    %and3A_94 = vector.broadcast %and3A_93 : i32 to vector<16xi32>
    %and3A_95 = arith.andi %get3A_92, %and3A_94 : vector<16xi32>
    %swap3A_96 = arith.constant 0 : i32
    %swap3A_97 = arith.index_cast %swap3A_96 : i32 to index
    %swap3A_98 = arith.constant 48 : index
    %swap3A_99 = tpu.vector_load %arg6[%swap3A_97, %swap3A_98] {strides = array<i32>} : memref<2x128xi32, #tpu.memory_space<vmem>>, vector<1x16xi32>,
    %swap3A_100 = vector.shape_cast %swap3A_99 : vector<1x16xi32> to vector<16xi32>
    %swap3A_101 = vector.shape_cast %and3A_95 : vector<16xi32> to vector<1x16xi32>
    tpu.vector_store %arg6[%swap3A_97, %swap3A_98], %swap3A_101 {strides = array<i32>} : memref<2x128xi32, #tpu.memory_space<vmem>>, vector<1x16xi32>,
    %shift_right_arithmetic3A_102 = arith.constant 16 : i32
    %shift_right_arithmetic3A_103 = vector.broadcast %shift_right_arithmetic3A_102 : i32 to vector<16xi32>
    %shift_right_arithmetic3A_104 = arith.shrsi %get3A_92, %shift_right_arithmetic3A_103 : vector<16xi32>
    %swap3A_105 = arith.constant 0 : i32
    %swap3A_106 = arith.index_cast %swap3A_105 : i32 to index
    %swap3A_107 = arith.constant 48 : index
    %swap3A_108 = tpu.vector_load %arg7[%swap3A_106, %swap3A_107] {strides = array<i32>} : memref<2x128xi32, #tpu.memory_space<vmem>>, vector<1x16xi32>,
    %swap3A_109 = vector.shape_cast %swap3A_108 : vector<1x16xi32> to vector<16xi32>
    %swap3A_110 = vector.shape_cast %shift_right_arithmetic3A_104 : vector<16xi32> to vector<1x16xi32>
    tpu.vector_store %arg7[%swap3A_106, %swap3A_107], %swap3A_110 {strides = array<i32>} : memref<2x128xi32, #tpu.memory_space<vmem>>, vector<1x16xi32>,
    %get3A_111 = arith.constant 0 : i32
    %get3A_112 = arith.index_cast %get3A_111 : i32 to index
    %get3A_113 = arith.constant 64 : index
    %get3A_114 = tpu.vector_load %arg5[%get3A_112, %get3A_113] {strides = array<i32>} : memref<80x128xi32, #tpu.memory_space<vmem>>, vector<1x16xi32>,
    %get3A_115 = vector.shape_cast %get3A_114 : vector<1x16xi32> to vector<16xi32>
    %and3A_116 = arith.constant 65535 : i32
    %and3A_117 = vector.broadcast %and3A_116 : i32 to vector<16xi32>
    %and3A_118 = arith.andi %get3A_115, %and3A_117 : vector<16xi32>
    %swap3A_119 = arith.constant 0 : i32
    %swap3A_120 = arith.index_cast %swap3A_119 : i32 to index
    %swap3A_121 = arith.constant 64 : index
    %swap3A_122 = tpu.vector_load %arg6[%swap3A_120, %swap3A_121] {strides = array<i32>} : memref<2x128xi32, #tpu.memory_space<vmem>>, vector<1x16xi32>,
    %swap3A_123 = vector.shape_cast %swap3A_122 : vector<1x16xi32> to vector<16xi32>
    %swap3A_124 = vector.shape_cast %and3A_118 : vector<16xi32> to vector<1x16xi32>
    tpu.vector_store %arg6[%swap3A_120, %swap3A_121], %swap3A_124 {strides = array<i32>} : memref<2x128xi32, #tpu.memory_space<vmem>>, vector<1x16xi32>,
    %shift_right_arithmetic3A_125 = arith.constant 16 : i32
    %shift_right_arithmetic3A_126 = vector.broadcast %shift_right_arithmetic3A_125 : i32 to vector<16xi32>
    %shift_right_arithmetic3A_127 = arith.shrsi %get3A_115, %shift_right_arithmetic3A_126 : vector<16xi32>
    %swap3A_128 = arith.constant 0 : i32
    %swap3A_129 = arith.index_cast %swap3A_128 : i32 to index
    %swap3A_130 = arith.constant 64 : index
    %swap3A_131 = tpu.vector_load %arg7[%swap3A_129, %swap3A_130] {strides = array<i32>} : memref<2x128xi32, #tpu.memory_space<vmem>>, vector<1x16xi32>,
    %swap3A_132 = vector.shape_cast %swap3A_131 : vector<1x16xi32> to vector<16xi32>
    %swap3A_133 = vector.shape_cast %shift_right_arithmetic3A_127 : vector<16xi32> to vector<1x16xi32>
    tpu.vector_store %arg7[%swap3A_129, %swap3A_130], %swap3A_133 {strides = array<i32>} : memref<2x128xi32, #tpu.memory_space<vmem>>, vector<1x16xi32>,
    %get3A_134 = arith.constant 0 : i32
    %get3A_135 = arith.index_cast %get3A_134 : i32 to index
    %get3A_136 = arith.constant 80 : index
    %get3A_137 = tpu.vector_load %arg5[%get3A_135, %get3A_136] {strides = array<i32>} : memref<80x128xi32, #tpu.memory_space<vmem>>, vector<1x16xi32>,
    %get3A_138 = vector.shape_cast %get3A_137 : vector<1x16xi32> to vector<16xi32>
    %and3A_139 = arith.constant 65535 : i32
    %and3A_140 = vector.broadcast %and3A_139 : i32 to vector<16xi32>
    %and3A_141 = arith.andi %get3A_138, %and3A_140 : vector<16xi32>
    %swap3A_142 = arith.constant 0 : i32
    %swap3A_143 = arith.index_cast %swap3A_142 : i32 to index
    %swap3A_144 = arith.constant 80 : index
    %swap3A_145 = tpu.vector_load %arg6[%swap3A_143, %swap3A_144] {strides = array<i32>} : memref<2x128xi32, #tpu.memory_space<vmem>>, vector<1x16xi32>,
    %swap3A_146 = vector.shape_cast %swap3A_145 : vector<1x16xi32> to vector<16xi32>
    %swap3A_147 = vector.shape_cast %and3A_141 : vector<16xi32> to vector<1x16xi32>
    tpu.vector_store %arg6[%swap3A_143, %swap3A_144], %swap3A_147 {strides = array<i32>} : memref<2x128xi32, #tpu.memory_space<vmem>>, vector<1x16xi32>,
    %shift_right_arithmetic3A_148 = arith.constant 16 : i32
    %shift_right_arithmetic3A_149 = vector.broadcast %shift_right_arithmetic3A_148 : i32 to vector<16xi32>
    %shift_right_arithmetic3A_150 = arith.shrsi %get3A_138, %shift_right_arithmetic3A_149 : vector<16xi32>
    %swap3A_151 = arith.constant 0 : i32
    %swap3A_152 = arith.index_cast %swap3A_151 : i32 to index
    %swap3A_153 = arith.constant 80 : index
    %swap3A_154 = tpu.vector_load %arg7[%swap3A_152, %swap3A_153] {strides = array<i32>} : memref<2x128xi32, #tpu.memory_space<vmem>>, vector<1x16xi32>,
    %swap3A_155 = vector.shape_cast %swap3A_154 : vector<1x16xi32> to vector<16xi32>
    %swap3A_156 = vector.shape_cast %shift_right_arithmetic3A_150 : vector<16xi32> to vector<1x16xi32>
    tpu.vector_store %arg7[%swap3A_152, %swap3A_153], %swap3A_156 {strides = array<i32>} : memref<2x128xi32, #tpu.memory_space<vmem>>, vector<1x16xi32>,
    %get3A_157 = arith.constant 0 : i32
    %get3A_158 = arith.index_cast %get3A_157 : i32 to index
    %get3A_159 = arith.constant 96 : index
    %get3A_160 = tpu.vector_load %arg5[%get3A_158, %get3A_159] {strides = array<i32>} : memref<80x128xi32, #tpu.memory_space<vmem>>, vector<1x16xi32>,
    %get3A_161 = vector.shape_cast %get3A_160 : vector<1x16xi32> to vector<16xi32>
    %and3A_162 = arith.constant 65535 : i32
    %and3A_163 = vector.broadcast %and3A_162 : i32 to vector<16xi32>
    %and3A_164 = arith.andi %get3A_161, %and3A_163 : vector<16xi32>
    %swap3A_165 = arith.constant 0 : i32
    %swap3A_166 = arith.index_cast %swap3A_165 : i32 to index
    %swap3A_167 = arith.constant 96 : index
    %swap3A_168 = tpu.vector_load %arg6[%swap3A_166, %swap3A_167] {strides = array<i32>} : memref<2x128xi32, #tpu.memory_space<vmem>>, vector<1x16xi32>,
    %swap3A_169 = vector.shape_cast %swap3A_168 : vector<1x16xi32> to vector<16xi32>
    %swap3A_170 = vector.shape_cast %and3A_164 : vector<16xi32> to vector<1x16xi32>
    tpu.vector_store %arg6[%swap3A_166, %swap3A_167], %swap3A_170 {strides = array<i32>} : memref<2x128xi32, #tpu.memory_space<vmem>>, vector<1x16xi32>,
    %shift_right_arithmetic3A_171 = arith.constant 16 : i32
    %shift_right_arithmetic3A_172 = vector.broadcast %shift_right_arithmetic3A_171 : i32 to vector<16xi32>
    %shift_right_arithmetic3A_173 = arith.shrsi %get3A_161, %shift_right_arithmetic3A_172 : vector<16xi32>
    %swap3A_174 = arith.constant 0 : i32
    %swap3A_175 = arith.index_cast %swap3A_174 : i32 to index
    %swap3A_176 = arith.constant 96 : index
    %swap3A_177 = tpu.vector_load %arg7[%swap3A_175, %swap3A_176] {strides = array<i32>} : memref<2x128xi32, #tpu.memory_space<vmem>>, vector<1x16xi32>,
    %swap3A_178 = vector.shape_cast %swap3A_177 : vector<1x16xi32> to vector<16xi32>
    %swap3A_179 = vector.shape_cast %shift_right_arithmetic3A_173 : vector<16xi32> to vector<1x16xi32>
    tpu.vector_store %arg7[%swap3A_175, %swap3A_176], %swap3A_179 {strides = array<i32>} : memref<2x128xi32, #tpu.memory_space<vmem>>, vector<1x16xi32>,
    %get3A_180 = arith.constant 0 : i32
    %get3A_181 = arith.index_cast %get3A_180 : i32 to index
    %get3A_182 = arith.constant 112 : index
    %get3A_183 = tpu.vector_load %arg5[%get3A_181, %get3A_182] {strides = array<i32>} : memref<80x128xi32, #tpu.memory_space<vmem>>, vector<1x16xi32>,
    %get3A_184 = vector.shape_cast %get3A_183 : vector<1x16xi32> to vector<16xi32>
    %and3A_185 = arith.constant 65535 : i32
    %and3A_186 = vector.broadcast %and3A_185 : i32 to vector<16xi32>
    %and3A_187 = arith.andi %get3A_184, %and3A_186 : vector<16xi32>
    %swap3A_188 = arith.constant 0 : i32
    %swap3A_189 = arith.index_cast %swap3A_188 : i32 to index
    %swap3A_190 = arith.constant 112 : index
    %swap3A_191 = tpu.vector_load %arg6[%swap3A_189, %swap3A_190] {strides = array<i32>} : memref<2x128xi32, #tpu.memory_space<vmem>>, vector<1x16xi32>,
    %swap3A_192 = vector.shape_cast %swap3A_191 : vector<1x16xi32> to vector<16xi32>
    %swap3A_193 = vector.shape_cast %and3A_187 : vector<16xi32> to vector<1x16xi32>
    tpu.vector_store %arg6[%swap3A_189, %swap3A_190], %swap3A_193 {strides = array<i32>} : memref<2x128xi32, #tpu.memory_space<vmem>>, vector<1x16xi32>,
    %shift_right_arithmetic3A_194 = arith.constant 16 : i32
    %shift_right_arithmetic3A_195 = vector.broadcast %shift_right_arithmetic3A_194 : i32 to vector<16xi32>
    %shift_right_arithmetic3A_196 = arith.shrsi %get3A_184, %shift_right_arithmetic3A_195 : vector<16xi32>
    %swap3A_197 = arith.constant 0 : i32
    %swap3A_198 = arith.index_cast %swap3A_197 : i32 to index
    %swap3A_199 = arith.constant 112 : index
    %swap3A_200 = tpu.vector_load %arg7[%swap3A_198, %swap3A_199] {strides = array<i32>} : memref<2x128xi32, #tpu.memory_space<vmem>>, vector<1x16xi32>,
    %swap3A_201 = vector.shape_cast %swap3A_200 : vector<1x16xi32> to vector<16xi32>
    %swap3A_202 = vector.shape_cast %shift_right_arithmetic3A_196 : vector<16xi32> to vector<1x16xi32>
    tpu.vector_store %arg7[%swap3A_198, %swap3A_199], %swap3A_202 {strides = array<i32>} : memref<2x128xi32, #tpu.memory_space<vmem>>, vector<1x16xi32>,
    %dma_start3A = arith.constant 0 : i32
    %dma_start3A_203 = arith.constant 0 : i32
    %dma_start3A_204 = arith.constant 0 : i32
    %dma_start3A_205 = arith.constant 0 : i32
    %dma_start3A_206 = tpu.memref_slice %arg8[%dma_start3A_203, %dma_start3A_204, %dma_start3A_205] : memref<2x128x128xf32, #tpu.memory_space<vmem>> -> memref<1x128x128xf32, #tpu.memory_space<vmem>>
    %dma_start3A_207 = tpu.memref_squeeze %dma_start3A_206 : memref<1x128x128xf32, #tpu.memory_space<vmem>> -> memref<128x128xf32, #tpu.memory_space<vmem>>
    %dma_start3A_208 = arith.constant 0 : i32
    %dma_start3A_209 = tpu.memref_slice %arg6[%dma_start3A, %dma_start3A_208] : memref<2x128xi32, #tpu.memory_space<vmem>> -> memref<1x128xi32, #tpu.memory_space<vmem>>
    %dma_start3A_210 = tpu.memref_squeeze %dma_start3A_209 : memref<1x128xi32, #tpu.memory_space<vmem>> -> memref<128xi32, #tpu.memory_space<vmem>>
    %dma_start3A_211 = arith.constant 0 : i32
    %dma_start3A_212 = arith.constant 0 : i32
    %dma_start3A_213 = tpu.memref_slice %arg2[%dma_start3A_211, %dma_start3A_212] : memref<10000x128xf32, #tpu.memory_space<hbm>> -> memref<10000x128xf32, #tpu.memory_space<hbm>>
    tpu.enqueue_indirect_dma source(%dma_start3A_213 : memref<10000x128xf32, #tpu.memory_space<hbm>>) target(%dma_start3A_207 : memref<128x128xf32, #tpu.memory_space<vmem>>) offsets(%dma_start3A_210 : memref<128xi32, #tpu.memory_space<vmem>>) semaphore(%arg10 : memref<!tpu.dma_semaphore, #tpu.memory_space<semaphore_mem>>)
    %get3A_214 = arith.constant 1 : i32
    %get3A_215 = arith.index_cast %get3A_214 : i32 to index
    %get3A_216 = arith.constant 0 : index
    %get3A_217 = tpu.vector_load %arg5[%get3A_215, %get3A_216] {strides = array<i32>} : memref<80x128xi32, #tpu.memory_space<vmem>>, vector<1x16xi32>,
    %get3A_218 = vector.shape_cast %get3A_217 : vector<1x16xi32> to vector<16xi32>
    %and3A_219 = arith.constant 65535 : i32
    %and3A_220 = vector.broadcast %and3A_219 : i32 to vector<16xi32>
    %and3A_221 = arith.andi %get3A_218, %and3A_220 : vector<16xi32>
    %swap3A_222 = arith.constant 1 : i32
    %swap3A_223 = arith.index_cast %swap3A_222 : i32 to index
    %swap3A_224 = arith.constant 0 : index
    %swap3A_225 = tpu.vector_load %arg6[%swap3A_223, %swap3A_224] {strides = array<i32>} : memref<2x128xi32, #tpu.memory_space<vmem>>, vector<1x16xi32>,
    %swap3A_226 = vector.shape_cast %swap3A_225 : vector<1x16xi32> to vector<16xi32>
    %swap3A_227 = vector.shape_cast %and3A_221 : vector<16xi32> to vector<1x16xi32>
    tpu.vector_store %arg6[%swap3A_223, %swap3A_224], %swap3A_227 {strides = array<i32>} : memref<2x128xi32, #tpu.memory_space<vmem>>, vector<1x16xi32>,
    %shift_right_arithmetic3A_228 = arith.constant 16 : i32
    %shift_right_arithmetic3A_229 = vector.broadcast %shift_right_arithmetic3A_228 : i32 to vector<16xi32>
    %shift_right_arithmetic3A_230 = arith.shrsi %get3A_218, %shift_right_arithmetic3A_229 : vector<16xi32>
    %swap3A_231 = arith.constant 1 : i32
    %swap3A_232 = arith.index_cast %swap3A_231 : i32 to index
    %swap3A_233 = arith.constant 0 : index
    %swap3A_234 = tpu.vector_load %arg7[%swap3A_232, %swap3A_233] {strides = array<i32>} : memref<2x128xi32, #tpu.memory_space<vmem>>, vector<1x16xi32>,
    %swap3A_235 = vector.shape_cast %swap3A_234 : vector<1x16xi32> to vector<16xi32>
    %swap3A_236 = vector.shape_cast %shift_right_arithmetic3A_230 : vector<16xi32> to vector<1x16xi32>
    tpu.vector_store %arg7[%swap3A_232, %swap3A_233], %swap3A_236 {strides = array<i32>} : memref<2x128xi32, #tpu.memory_space<vmem>>, vector<1x16xi32>,
    %get3A_237 = arith.constant 1 : i32
    %get3A_238 = arith.index_cast %get3A_237 : i32 to index
    %get3A_239 = arith.constant 16 : index
    %get3A_240 = tpu.vector_load %arg5[%get3A_238, %get3A_239] {strides = array<i32>} : memref<80x128xi32, #tpu.memory_space<vmem>>, vector<1x16xi32>,
    %get3A_241 = vector.shape_cast %get3A_240 : vector<1x16xi32> to vector<16xi32>
    %and3A_242 = arith.constant 65535 : i32
    %and3A_243 = vector.broadcast %and3A_242 : i32 to vector<16xi32>
    %and3A_244 = arith.andi %get3A_241, %and3A_243 : vector<16xi32>
    %swap3A_245 = arith.constant 1 : i32
    %swap3A_246 = arith.index_cast %swap3A_245 : i32 to index
    %swap3A_247 = arith.constant 16 : index
    %swap3A_248 = tpu.vector_load %arg6[%swap3A_246, %swap3A_247] {strides = array<i32>} : memref<2x128xi32, #tpu.memory_space<vmem>>, vector<1x16xi32>,
    %swap3A_249 = vector.shape_cast %swap3A_248 : vector<1x16xi32> to vector<16xi32>
    %swap3A_250 = vector.shape_cast %and3A_244 : vector<16xi32> to vector<1x16xi32>
    tpu.vector_store %arg6[%swap3A_246, %swap3A_247], %swap3A_250 {strides = array<i32>} : memref<2x128xi32, #tpu.memory_space<vmem>>, vector<1x16xi32>,
    %shift_right_arithmetic3A_251 = arith.constant 16 : i32
    %shift_right_arithmetic3A_252 = vector.broadcast %shift_right_arithmetic3A_251 : i32 to vector<16xi32>
    %shift_right_arithmetic3A_253 = arith.shrsi %get3A_241, %shift_right_arithmetic3A_252 : vector<16xi32>
    %swap3A_254 = arith.constant 1 : i32
    %swap3A_255 = arith.index_cast %swap3A_254 : i32 to index
    %swap3A_256 = arith.constant 16 : index
    %swap3A_257 = tpu.vector_load %arg7[%swap3A_255, %swap3A_256] {strides = array<i32>} : memref<2x128xi32, #tpu.memory_space<vmem>>, vector<1x16xi32>,
    %swap3A_258 = vector.shape_cast %swap3A_257 : vector<1x16xi32> to vector<16xi32>
    %swap3A_259 = vector.shape_cast %shift_right_arithmetic3A_253 : vector<16xi32> to vector<1x16xi32>
    tpu.vector_store %arg7[%swap3A_255, %swap3A_256], %swap3A_259 {strides = array<i32>} : memref<2x128xi32, #tpu.memory_space<vmem>>, vector<1x16xi32>,
    %get3A_260 = arith.constant 1 : i32
    %get3A_261 = arith.index_cast %get3A_260 : i32 to index
    %get3A_262 = arith.constant 32 : index
    %get3A_263 = tpu.vector_load %arg5[%get3A_261, %get3A_262] {strides = array<i32>} : memref<80x128xi32, #tpu.memory_space<vmem>>, vector<1x16xi32>,
    %get3A_264 = vector.shape_cast %get3A_263 : vector<1x16xi32> to vector<16xi32>
    %and3A_265 = arith.constant 65535 : i32
    %and3A_266 = vector.broadcast %and3A_265 : i32 to vector<16xi32>
    %and3A_267 = arith.andi %get3A_264, %and3A_266 : vector<16xi32>
    %swap3A_268 = arith.constant 1 : i32
    %swap3A_269 = arith.index_cast %swap3A_268 : i32 to index
    %swap3A_270 = arith.constant 32 : index
    %swap3A_271 = tpu.vector_load %arg6[%swap3A_269, %swap3A_270] {strides = array<i32>} : memref<2x128xi32, #tpu.memory_space<vmem>>, vector<1x16xi32>,
    %swap3A_272 = vector.shape_cast %swap3A_271 : vector<1x16xi32> to vector<16xi32>
    %swap3A_273 = vector.shape_cast %and3A_267 : vector<16xi32> to vector<1x16xi32>
    tpu.vector_store %arg6[%swap3A_269, %swap3A_270], %swap3A_273 {strides = array<i32>} : memref<2x128xi32, #tpu.memory_space<vmem>>, vector<1x16xi32>,
    %shift_right_arithmetic3A_274 = arith.constant 16 : i32
    %shift_right_arithmetic3A_275 = vector.broadcast %shift_right_arithmetic3A_274 : i32 to vector<16xi32>
    %shift_right_arithmetic3A_276 = arith.shrsi %get3A_264, %shift_right_arithmetic3A_275 : vector<16xi32>
    %swap3A_277 = arith.constant 1 : i32
    %swap3A_278 = arith.index_cast %swap3A_277 : i32 to index
    %swap3A_279 = arith.constant 32 : index
    %swap3A_280 = tpu.vector_load %arg7[%swap3A_278, %swap3A_279] {strides = array<i32>} : memref<2x128xi32, #tpu.memory_space<vmem>>, vector<1x16xi32>,
    %swap3A_281 = vector.shape_cast %swap3A_280 : vector<1x16xi32> to vector<16xi32>
    %swap3A_282 = vector.shape_cast %shift_right_arithmetic3A_276 : vector<16xi32> to vector<1x16xi32>
    tpu.vector_store %arg7[%swap3A_278, %swap3A_279], %swap3A_282 {strides = array<i32>} : memref<2x128xi32, #tpu.memory_space<vmem>>, vector<1x16xi32>,
    %get3A_283 = arith.constant 1 : i32
    %get3A_284 = arith.index_cast %get3A_283 : i32 to index
    %get3A_285 = arith.constant 48 : index
    %get3A_286 = tpu.vector_load %arg5[%get3A_284, %get3A_285] {strides = array<i32>} : memref<80x128xi32, #tpu.memory_space<vmem>>, vector<1x16xi32>,
    %get3A_287 = vector.shape_cast %get3A_286 : vector<1x16xi32> to vector<16xi32>
    %and3A_288 = arith.constant 65535 : i32
    %and3A_289 = vector.broadcast %and3A_288 : i32 to vector<16xi32>
    %and3A_290 = arith.andi %get3A_287, %and3A_289 : vector<16xi32>
    %swap3A_291 = arith.constant 1 : i32
    %swap3A_292 = arith.index_cast %swap3A_291 : i32 to index
    %swap3A_293 = arith.constant 48 : index
    %swap3A_294 = tpu.vector_load %arg6[%swap3A_292, %swap3A_293] {strides = array<i32>} : memref<2x128xi32, #tpu.memory_space<vmem>>, vector<1x16xi32>,
    %swap3A_295 = vector.shape_cast %swap3A_294 : vector<1x16xi32> to vector<16xi32>
    %swap3A_296 = vector.shape_cast %and3A_290 : vector<16xi32> to vector<1x16xi32>
    tpu.vector_store %arg6[%swap3A_292, %swap3A_293], %swap3A_296 {strides = array<i32>} : memref<2x128xi32, #tpu.memory_space<vmem>>, vector<1x16xi32>,
    %shift_right_arithmetic3A_297 = arith.constant 16 : i32
    %shift_right_arithmetic3A_298 = vector.broadcast %shift_right_arithmetic3A_297 : i32 to vector<16xi32>
    %shift_right_arithmetic3A_299 = arith.shrsi %get3A_287, %shift_right_arithmetic3A_298 : vector<16xi32>
    %swap3A_300 = arith.constant 1 : i32
    %swap3A_301 = arith.index_cast %swap3A_300 : i32 to index
    %swap3A_302 = arith.constant 48 : index
    %swap3A_303 = tpu.vector_load %arg7[%swap3A_301, %swap3A_302] {strides = array<i32>} : memref<2x128xi32, #tpu.memory_space<vmem>>, vector<1x16xi32>,
    %swap3A_304 = vector.shape_cast %swap3A_303 : vector<1x16xi32> to vector<16xi32>
    %swap3A_305 = vector.shape_cast %shift_right_arithmetic3A_299 : vector<16xi32> to vector<1x16xi32>
    tpu.vector_store %arg7[%swap3A_301, %swap3A_302], %swap3A_305 {strides = array<i32>} : memref<2x128xi32, #tpu.memory_space<vmem>>, vector<1x16xi32>,
    %get3A_306 = arith.constant 1 : i32
    %get3A_307 = arith.index_cast %get3A_306 : i32 to index
    %get3A_308 = arith.constant 64 : index
    %get3A_309 = tpu.vector_load %arg5[%get3A_307, %get3A_308] {strides = array<i32>} : memref<80x128xi32, #tpu.memory_space<vmem>>, vector<1x16xi32>,
    %get3A_310 = vector.shape_cast %get3A_309 : vector<1x16xi32> to vector<16xi32>
    %and3A_311 = arith.constant 65535 : i32
    %and3A_312 = vector.broadcast %and3A_311 : i32 to vector<16xi32>
    %and3A_313 = arith.andi %get3A_310, %and3A_312 : vector<16xi32>
    %swap3A_314 = arith.constant 1 : i32
    %swap3A_315 = arith.index_cast %swap3A_314 : i32 to index
    %swap3A_316 = arith.constant 64 : index
    %swap3A_317 = tpu.vector_load %arg6[%swap3A_315, %swap3A_316] {strides = array<i32>} : memref<2x128xi32, #tpu.memory_space<vmem>>, vector<1x16xi32>,
    %swap3A_318 = vector.shape_cast %swap3A_317 : vector<1x16xi32> to vector<16xi32>
    %swap3A_319 = vector.shape_cast %and3A_313 : vector<16xi32> to vector<1x16xi32>
    tpu.vector_store %arg6[%swap3A_315, %swap3A_316], %swap3A_319 {strides = array<i32>} : memref<2x128xi32, #tpu.memory_space<vmem>>, vector<1x16xi32>,
    %shift_right_arithmetic3A_320 = arith.constant 16 : i32
    %shift_right_arithmetic3A_321 = vector.broadcast %shift_right_arithmetic3A_320 : i32 to vector<16xi32>
    %shift_right_arithmetic3A_322 = arith.shrsi %get3A_310, %shift_right_arithmetic3A_321 : vector<16xi32>
    %swap3A_323 = arith.constant 1 : i32
    %swap3A_324 = arith.index_cast %swap3A_323 : i32 to index
    %swap3A_325 = arith.constant 64 : index
    %swap3A_326 = tpu.vector_load %arg7[%swap3A_324, %swap3A_325] {strides = array<i32>} : memref<2x128xi32, #tpu.memory_space<vmem>>, vector<1x16xi32>,
    %swap3A_327 = vector.shape_cast %swap3A_326 : vector<1x16xi32> to vector<16xi32>
    %swap3A_328 = vector.shape_cast %shift_right_arithmetic3A_322 : vector<16xi32> to vector<1x16xi32>
    tpu.vector_store %arg7[%swap3A_324, %swap3A_325], %swap3A_328 {strides = array<i32>} : memref<2x128xi32, #tpu.memory_space<vmem>>, vector<1x16xi32>,
    %get3A_329 = arith.constant 1 : i32
    %get3A_330 = arith.index_cast %get3A_329 : i32 to index
    %get3A_331 = arith.constant 80 : index
    %get3A_332 = tpu.vector_load %arg5[%get3A_330, %get3A_331] {strides = array<i32>} : memref<80x128xi32, #tpu.memory_space<vmem>>, vector<1x16xi32>,
    %get3A_333 = vector.shape_cast %get3A_332 : vector<1x16xi32> to vector<16xi32>
    %and3A_334 = arith.constant 65535 : i32
    %and3A_335 = vector.broadcast %and3A_334 : i32 to vector<16xi32>
    %and3A_336 = arith.andi %get3A_333, %and3A_335 : vector<16xi32>
    %swap3A_337 = arith.constant 1 : i32
    %swap3A_338 = arith.index_cast %swap3A_337 : i32 to index
    %swap3A_339 = arith.constant 80 : index
    %swap3A_340 = tpu.vector_load %arg6[%swap3A_338, %swap3A_339] {strides = array<i32>} : memref<2x128xi32, #tpu.memory_space<vmem>>, vector<1x16xi32>,
    %swap3A_341 = vector.shape_cast %swap3A_340 : vector<1x16xi32> to vector<16xi32>
    %swap3A_342 = vector.shape_cast %and3A_336 : vector<16xi32> to vector<1x16xi32>
    tpu.vector_store %arg6[%swap3A_338, %swap3A_339], %swap3A_342 {strides = array<i32>} : memref<2x128xi32, #tpu.memory_space<vmem>>, vector<1x16xi32>,
    %shift_right_arithmetic3A_343 = arith.constant 16 : i32
    %shift_right_arithmetic3A_344 = vector.broadcast %shift_right_arithmetic3A_343 : i32 to vector<16xi32>
    %shift_right_arithmetic3A_345 = arith.shrsi %get3A_333, %shift_right_arithmetic3A_344 : vector<16xi32>
    %swap3A_346 = arith.constant 1 : i32
    %swap3A_347 = arith.index_cast %swap3A_346 : i32 to index
    %swap3A_348 = arith.constant 80 : index
    %swap3A_349 = tpu.vector_load %arg7[%swap3A_347, %swap3A_348] {strides = array<i32>} : memref<2x128xi32, #tpu.memory_space<vmem>>, vector<1x16xi32>,
    %swap3A_350 = vector.shape_cast %swap3A_349 : vector<1x16xi32> to vector<16xi32>
    %swap3A_351 = vector.shape_cast %shift_right_arithmetic3A_345 : vector<16xi32> to vector<1x16xi32>
    tpu.vector_store %arg7[%swap3A_347, %swap3A_348], %swap3A_351 {strides = array<i32>} : memref<2x128xi32, #tpu.memory_space<vmem>>, vector<1x16xi32>,
    %get3A_352 = arith.constant 1 : i32
    %get3A_353 = arith.index_cast %get3A_352 : i32 to index
    %get3A_354 = arith.constant 96 : index
    %get3A_355 = tpu.vector_load %arg5[%get3A_353, %get3A_354] {strides = array<i32>} : memref<80x128xi32, #tpu.memory_space<vmem>>, vector<1x16xi32>,
    %get3A_356 = vector.shape_cast %get3A_355 : vector<1x16xi32> to vector<16xi32>
    %and3A_357 = arith.constant 65535 : i32
    %and3A_358 = vector.broadcast %and3A_357 : i32 to vector<16xi32>
    %and3A_359 = arith.andi %get3A_356, %and3A_358 : vector<16xi32>
    %swap3A_360 = arith.constant 1 : i32
    %swap3A_361 = arith.index_cast %swap3A_360 : i32 to index
    %swap3A_362 = arith.constant 96 : index
    %swap3A_363 = tpu.vector_load %arg6[%swap3A_361, %swap3A_362] {strides = array<i32>} : memref<2x128xi32, #tpu.memory_space<vmem>>, vector<1x16xi32>,
    %swap3A_364 = vector.shape_cast %swap3A_363 : vector<1x16xi32> to vector<16xi32>
    %swap3A_365 = vector.shape_cast %and3A_359 : vector<16xi32> to vector<1x16xi32>
    tpu.vector_store %arg6[%swap3A_361, %swap3A_362], %swap3A_365 {strides = array<i32>} : memref<2x128xi32, #tpu.memory_space<vmem>>, vector<1x16xi32>,
    %shift_right_arithmetic3A_366 = arith.constant 16 : i32
    %shift_right_arithmetic3A_367 = vector.broadcast %shift_right_arithmetic3A_366 : i32 to vector<16xi32>
    %shift_right_arithmetic3A_368 = arith.shrsi %get3A_356, %shift_right_arithmetic3A_367 : vector<16xi32>
    %swap3A_369 = arith.constant 1 : i32
    %swap3A_370 = arith.index_cast %swap3A_369 : i32 to index
    %swap3A_371 = arith.constant 96 : index
    %swap3A_372 = tpu.vector_load %arg7[%swap3A_370, %swap3A_371] {strides = array<i32>} : memref<2x128xi32, #tpu.memory_space<vmem>>, vector<1x16xi32>,
    %swap3A_373 = vector.shape_cast %swap3A_372 : vector<1x16xi32> to vector<16xi32>
    %swap3A_374 = vector.shape_cast %shift_right_arithmetic3A_368 : vector<16xi32> to vector<1x16xi32>
    tpu.vector_store %arg7[%swap3A_370, %swap3A_371], %swap3A_374 {strides = array<i32>} : memref<2x128xi32, #tpu.memory_space<vmem>>, vector<1x16xi32>,
    %get3A_375 = arith.constant 1 : i32
    %get3A_376 = arith.index_cast %get3A_375 : i32 to index
    %get3A_377 = arith.constant 112 : index
    %get3A_378 = tpu.vector_load %arg5[%get3A_376, %get3A_377] {strides = array<i32>} : memref<80x128xi32, #tpu.memory_space<vmem>>, vector<1x16xi32>,
    %get3A_379 = vector.shape_cast %get3A_378 : vector<1x16xi32> to vector<16xi32>
    %and3A_380 = arith.constant 65535 : i32
    %and3A_381 = vector.broadcast %and3A_380 : i32 to vector<16xi32>
    %and3A_382 = arith.andi %get3A_379, %and3A_381 : vector<16xi32>
    %swap3A_383 = arith.constant 1 : i32
    %swap3A_384 = arith.index_cast %swap3A_383 : i32 to index
    %swap3A_385 = arith.constant 112 : index
    %swap3A_386 = tpu.vector_load %arg6[%swap3A_384, %swap3A_385] {strides = array<i32>} : memref<2x128xi32, #tpu.memory_space<vmem>>, vector<1x16xi32>,
    %swap3A_387 = vector.shape_cast %swap3A_386 : vector<1x16xi32> to vector<16xi32>
    %swap3A_388 = vector.shape_cast %and3A_382 : vector<16xi32> to vector<1x16xi32>
    tpu.vector_store %arg6[%swap3A_384, %swap3A_385], %swap3A_388 {strides = array<i32>} : memref<2x128xi32, #tpu.memory_space<vmem>>, vector<1x16xi32>,
    %shift_right_arithmetic3A_389 = arith.constant 16 : i32
    %shift_right_arithmetic3A_390 = vector.broadcast %shift_right_arithmetic3A_389 : i32 to vector<16xi32>
    %shift_right_arithmetic3A_391 = arith.shrsi %get3A_379, %shift_right_arithmetic3A_390 : vector<16xi32>
    %swap3A_392 = arith.constant 1 : i32
    %swap3A_393 = arith.index_cast %swap3A_392 : i32 to index
    %swap3A_394 = arith.constant 112 : index
    %swap3A_395 = tpu.vector_load %arg7[%swap3A_393, %swap3A_394] {strides = array<i32>} : memref<2x128xi32, #tpu.memory_space<vmem>>, vector<1x16xi32>,
    %swap3A_396 = vector.shape_cast %swap3A_395 : vector<1x16xi32> to vector<16xi32>
    %swap3A_397 = vector.shape_cast %shift_right_arithmetic3A_391 : vector<16xi32> to vector<1x16xi32>
    tpu.vector_store %arg7[%swap3A_393, %swap3A_394], %swap3A_397 {strides = array<i32>} : memref<2x128xi32, #tpu.memory_space<vmem>>, vector<1x16xi32>,
    %dma_start3A_398 = arith.constant 1 : i32
    %dma_start3A_399 = arith.constant 1 : i32
    %dma_start3A_400 = arith.constant 0 : i32
    %dma_start3A_401 = arith.constant 0 : i32
    %dma_start3A_402 = tpu.memref_slice %arg8[%dma_start3A_399, %dma_start3A_400, %dma_start3A_401] : memref<2x128x128xf32, #tpu.memory_space<vmem>> -> memref<1x128x128xf32, #tpu.memory_space<vmem>>
    %dma_start3A_403 = tpu.memref_squeeze %dma_start3A_402 : memref<1x128x128xf32, #tpu.memory_space<vmem>> -> memref<128x128xf32, #tpu.memory_space<vmem>>
    %dma_start3A_404 = arith.constant 0 : i32
    %dma_start3A_405 = tpu.memref_slice %arg6[%dma_start3A_398, %dma_start3A_404] : memref<2x128xi32, #tpu.memory_space<vmem>> -> memref<1x128xi32, #tpu.memory_space<vmem>>
    %dma_start3A_406 = tpu.memref_squeeze %dma_start3A_405 : memref<1x128xi32, #tpu.memory_space<vmem>> -> memref<128xi32, #tpu.memory_space<vmem>>
    %dma_start3A_407 = arith.constant 0 : i32
    %dma_start3A_408 = arith.constant 0 : i32
    %dma_start3A_409 = tpu.memref_slice %arg2[%dma_start3A_407, %dma_start3A_408] : memref<10000x128xf32, #tpu.memory_space<hbm>> -> memref<10000x128xf32, #tpu.memory_space<hbm>>
    tpu.enqueue_indirect_dma source(%dma_start3A_409 : memref<10000x128xf32, #tpu.memory_space<hbm>>) target(%dma_start3A_403 : memref<128x128xf32, #tpu.memory_space<vmem>>) offsets(%dma_start3A_406 : memref<128xi32, #tpu.memory_space<vmem>>) semaphore(%arg11 : memref<!tpu.dma_semaphore, #tpu.memory_space<semaphore_mem>>)
    %scan3A_410 = arith.constant 0 : i32
    %scan3A_411 = arith.constant 0 : i32
    %scan3A_412 = arith.constant 40 : i32
    %scan3A_413 = arith.addi %scan3A_411, %scan3A_412 : i32
    %scan3A_414 = arith.constant 1 : i32
    scf.for %scan3A_440 = %scan3A_411 to %scan3A_413 step %scan3A_414  : i32 {
      %mul3A_441 = arith.constant 2 : i32
      %mul3A_442 = arith.muli %scan3A_440, %mul3A_441 : i32
      %add3A_443 = arith.constant 0 : i32
      %add3A_444 = arith.addi %mul3A_442, %add3A_443 : i32
      %dma_wait3A_445 = arith.constant 0 : i32
      %dma_wait3A_446 = arith.constant 0 : i32
      %dma_wait3A_447 = arith.constant 0 : i32
      %dma_wait3A_448 = arith.constant 0 : i32
      %dma_wait3A_449 = tpu.memref_slice %arg8[%dma_wait3A_446, %dma_wait3A_447, %dma_wait3A_448] : memref<2x128x128xf32, #tpu.memory_space<vmem>> -> memref<1x128x128xf32, #tpu.memory_space<vmem>>
      %dma_wait3A_450 = tpu.memref_squeeze %dma_wait3A_449 : memref<1x128x128xf32, #tpu.memory_space<vmem>> -> memref<128x128xf32, #tpu.memory_space<vmem>>
      %dma_wait3A_451 = arith.constant 0 : i32
      %dma_wait3A_452 = tpu.memref_slice %arg6[%dma_wait3A_445, %dma_wait3A_451] : memref<2x128xi32, #tpu.memory_space<vmem>> -> memref<1x128xi32, #tpu.memory_space<vmem>>
      %dma_wait3A_453 = tpu.memref_squeeze %dma_wait3A_452 : memref<1x128xi32, #tpu.memory_space<vmem>> -> memref<128xi32, #tpu.memory_space<vmem>>
      %dma_wait3A_454 = arith.constant 0 : i32
      %dma_wait3A_455 = arith.constant 0 : i32
      %dma_wait3A_456 = tpu.memref_slice %arg2[%dma_wait3A_454, %dma_wait3A_455] : memref<10000x128xf32, #tpu.memory_space<hbm>> -> memref<10000x128xf32, #tpu.memory_space<hbm>>
      tpu.wait_indirect_dma semaphore(%arg10 : memref<!tpu.dma_semaphore, #tpu.memory_space<semaphore_mem>>) src(%dma_wait3A_456 : memref<10000x128xf32, #tpu.memory_space<hbm>>) dst(%dma_wait3A_450 : memref<128x128xf32, #tpu.memory_space<vmem>>)
      %dma_start3A_457 = arith.constant 0 : i32
      %dma_start3A_458 = arith.constant 0 : i32
      %dma_start3A_459 = arith.constant 0 : i32
      %dma_start3A_460 = arith.constant 0 : i32
      %dma_start3A_461 = tpu.memref_slice %arg8[%dma_start3A_457, %dma_start3A_459, %dma_start3A_460] : memref<2x128x128xf32, #tpu.memory_space<vmem>> -> memref<1x128x128xf32, #tpu.memory_space<vmem>>
      %dma_start3A_462 = tpu.memref_squeeze %dma_start3A_461 : memref<1x128x128xf32, #tpu.memory_space<vmem>> -> memref<128x128xf32, #tpu.memory_space<vmem>>
      %dma_start3A_463 = arith.constant 0 : i32
      %dma_start3A_464 = tpu.memref_slice %arg7[%dma_start3A_458, %dma_start3A_463] : memref<2x128xi32, #tpu.memory_space<vmem>> -> memref<1x128xi32, #tpu.memory_space<vmem>>
      %dma_start3A_465 = tpu.memref_squeeze %dma_start3A_464 : memref<1x128xi32, #tpu.memory_space<vmem>> -> memref<128xi32, #tpu.memory_space<vmem>>
      %dma_start3A_466 = arith.constant 0 : i32
      %dma_start3A_467 = arith.constant 0 : i32
      %dma_start3A_468 = tpu.memref_slice %arg9[%dma_start3A_466, %dma_start3A_467] : memref<10240x128xf32, #tpu.memory_space<vmem_shared>> -> memref<10240x128xf32, #tpu.memory_space<vmem_shared>>
      tpu.enqueue_indirect_dma source(%dma_start3A_462 : memref<128x128xf32, #tpu.memory_space<vmem>>) target(%dma_start3A_468 : memref<10240x128xf32, #tpu.memory_space<vmem_shared>>) offsets(%dma_start3A_465 : memref<128xi32, #tpu.memory_space<vmem>>) semaphore(%arg12 : memref<!tpu.dma_semaphore, #tpu.memory_space<semaphore_mem>>) {add = true}
      %add3A_469 = arith.constant 2 : i32
      %add3A_470 = arith.addi %add3A_444, %add3A_469 : i32
      %lt3A = arith.constant 80 : i32
      %lt3A_471 = arith.cmpi slt, %add3A_470, %lt3A : i32
      %convert_element_type3A = arith.extui %lt3A_471 : i1 to i32
      %cond3A = arith.constant 0 : i32
      %cond3A_472 = arith.cmpi ne, %convert_element_type3A, %cond3A : i32
      scf.if %cond3A_472 {
        %dma_wait3A_508 = arith.constant 0 : i32
        %dma_wait3A_509 = arith.constant 0 : i32
        %dma_wait3A_510 = arith.constant 0 : i32
        %dma_wait3A_511 = arith.constant 0 : i32
        %dma_wait3A_512 = tpu.memref_slice %arg8[%dma_wait3A_508, %dma_wait3A_510, %dma_wait3A_511] : memref<2x128x128xf32, #tpu.memory_space<vmem>> -> memref<1x128x128xf32, #tpu.memory_space<vmem>>
        %dma_wait3A_513 = tpu.memref_squeeze %dma_wait3A_512 : memref<1x128x128xf32, #tpu.memory_space<vmem>> -> memref<128x128xf32, #tpu.memory_space<vmem>>
        %dma_wait3A_514 = arith.constant 0 : i32
        %dma_wait3A_515 = tpu.memref_slice %arg7[%dma_wait3A_509, %dma_wait3A_514] : memref<2x128xi32, #tpu.memory_space<vmem>> -> memref<1x128xi32, #tpu.memory_space<vmem>>
        %dma_wait3A_516 = tpu.memref_squeeze %dma_wait3A_515 : memref<1x128xi32, #tpu.memory_space<vmem>> -> memref<128xi32, #tpu.memory_space<vmem>>
        %dma_wait3A_517 = arith.constant 0 : i32
        %dma_wait3A_518 = arith.constant 0 : i32
        %dma_wait3A_519 = tpu.memref_slice %arg9[%dma_wait3A_517, %dma_wait3A_518] : memref<10240x128xf32, #tpu.memory_space<vmem_shared>> -> memref<10240x128xf32, #tpu.memory_space<vmem_shared>>
        tpu.wait_indirect_dma semaphore(%arg12 : memref<!tpu.dma_semaphore, #tpu.memory_space<semaphore_mem>>) src(%dma_wait3A_513 : memref<128x128xf32, #tpu.memory_space<vmem>>) dst(%dma_wait3A_519 : memref<10240x128xf32, #tpu.memory_space<vmem_shared>>)
        %get3A_520 = arith.index_cast %add3A_470 : i32 to index
        %get3A_521 = arith.constant 0 : index
        %get3A_522 = tpu.vector_load %arg5[%get3A_520, %get3A_521] {strides = array<i32>} : memref<80x128xi32, #tpu.memory_space<vmem>>, vector<1x16xi32>,
        %get3A_523 = vector.shape_cast %get3A_522 : vector<1x16xi32> to vector<16xi32>
        %and3A_524 = arith.constant 65535 : i32
        %and3A_525 = vector.broadcast %and3A_524 : i32 to vector<16xi32>
        %and3A_526 = arith.andi %get3A_523, %and3A_525 : vector<16xi32>
        %swap3A_527 = arith.constant 0 : i32
        %swap3A_528 = arith.index_cast %swap3A_527 : i32 to index
        %swap3A_529 = arith.constant 0 : index
        %swap3A_530 = tpu.vector_load %arg6[%swap3A_528, %swap3A_529] {strides = array<i32>} : memref<2x128xi32, #tpu.memory_space<vmem>>, vector<1x16xi32>,
        %swap3A_531 = vector.shape_cast %swap3A_530 : vector<1x16xi32> to vector<16xi32>
        %swap3A_532 = vector.shape_cast %and3A_526 : vector<16xi32> to vector<1x16xi32>
        tpu.vector_store %arg6[%swap3A_528, %swap3A_529], %swap3A_532 {strides = array<i32>} : memref<2x128xi32, #tpu.memory_space<vmem>>, vector<1x16xi32>,
        %shift_right_arithmetic3A_533 = arith.constant 16 : i32
        %shift_right_arithmetic3A_534 = vector.broadcast %shift_right_arithmetic3A_533 : i32 to vector<16xi32>
        %shift_right_arithmetic3A_535 = arith.shrsi %get3A_523, %shift_right_arithmetic3A_534 : vector<16xi32>
        %swap3A_536 = arith.constant 0 : i32
        %swap3A_537 = arith.index_cast %swap3A_536 : i32 to index
        %swap3A_538 = arith.constant 0 : index
        %swap3A_539 = tpu.vector_load %arg7[%swap3A_537, %swap3A_538] {strides = array<i32>} : memref<2x128xi32, #tpu.memory_space<vmem>>, vector<1x16xi32>,
        %swap3A_540 = vector.shape_cast %swap3A_539 : vector<1x16xi32> to vector<16xi32>
        %swap3A_541 = vector.shape_cast %shift_right_arithmetic3A_535 : vector<16xi32> to vector<1x16xi32>
        tpu.vector_store %arg7[%swap3A_537, %swap3A_538], %swap3A_541 {strides = array<i32>} : memref<2x128xi32, #tpu.memory_space<vmem>>, vector<1x16xi32>,
        %get3A_542 = arith.index_cast %add3A_470 : i32 to index
        %get3A_543 = arith.constant 16 : index
        %get3A_544 = tpu.vector_load %arg5[%get3A_542, %get3A_543] {strides = array<i32>} : memref<80x128xi32, #tpu.memory_space<vmem>>, vector<1x16xi32>,
        %get3A_545 = vector.shape_cast %get3A_544 : vector<1x16xi32> to vector<16xi32>
        %and3A_546 = arith.constant 65535 : i32
        %and3A_547 = vector.broadcast %and3A_546 : i32 to vector<16xi32>
        %and3A_548 = arith.andi %get3A_545, %and3A_547 : vector<16xi32>
        %swap3A_549 = arith.constant 0 : i32
        %swap3A_550 = arith.index_cast %swap3A_549 : i32 to index
        %swap3A_551 = arith.constant 16 : index
        %swap3A_552 = tpu.vector_load %arg6[%swap3A_550, %swap3A_551] {strides = array<i32>} : memref<2x128xi32, #tpu.memory_space<vmem>>, vector<1x16xi32>,
        %swap3A_553 = vector.shape_cast %swap3A_552 : vector<1x16xi32> to vector<16xi32>
        %swap3A_554 = vector.shape_cast %and3A_548 : vector<16xi32> to vector<1x16xi32>
        tpu.vector_store %arg6[%swap3A_550, %swap3A_551], %swap3A_554 {strides = array<i32>} : memref<2x128xi32, #tpu.memory_space<vmem>>, vector<1x16xi32>,
        %shift_right_arithmetic3A_555 = arith.constant 16 : i32
        %shift_right_arithmetic3A_556 = vector.broadcast %shift_right_arithmetic3A_555 : i32 to vector<16xi32>
        %shift_right_arithmetic3A_557 = arith.shrsi %get3A_545, %shift_right_arithmetic3A_556 : vector<16xi32>
        %swap3A_558 = arith.constant 0 : i32
        %swap3A_559 = arith.index_cast %swap3A_558 : i32 to index
        %swap3A_560 = arith.constant 16 : index
        %swap3A_561 = tpu.vector_load %arg7[%swap3A_559, %swap3A_560] {strides = array<i32>} : memref<2x128xi32, #tpu.memory_space<vmem>>, vector<1x16xi32>,
        %swap3A_562 = vector.shape_cast %swap3A_561 : vector<1x16xi32> to vector<16xi32>
        %swap3A_563 = vector.shape_cast %shift_right_arithmetic3A_557 : vector<16xi32> to vector<1x16xi32>
        tpu.vector_store %arg7[%swap3A_559, %swap3A_560], %swap3A_563 {strides = array<i32>} : memref<2x128xi32, #tpu.memory_space<vmem>>, vector<1x16xi32>,
        %get3A_564 = arith.index_cast %add3A_470 : i32 to index
        %get3A_565 = arith.constant 32 : index
        %get3A_566 = tpu.vector_load %arg5[%get3A_564, %get3A_565] {strides = array<i32>} : memref<80x128xi32, #tpu.memory_space<vmem>>, vector<1x16xi32>,
        %get3A_567 = vector.shape_cast %get3A_566 : vector<1x16xi32> to vector<16xi32>
        %and3A_568 = arith.constant 65535 : i32
        %and3A_569 = vector.broadcast %and3A_568 : i32 to vector<16xi32>
        %and3A_570 = arith.andi %get3A_567, %and3A_569 : vector<16xi32>
        %swap3A_571 = arith.constant 0 : i32
        %swap3A_572 = arith.index_cast %swap3A_571 : i32 to index
        %swap3A_573 = arith.constant 32 : index
        %swap3A_574 = tpu.vector_load %arg6[%swap3A_572, %swap3A_573] {strides = array<i32>} : memref<2x128xi32, #tpu.memory_space<vmem>>, vector<1x16xi32>,
        %swap3A_575 = vector.shape_cast %swap3A_574 : vector<1x16xi32> to vector<16xi32>
        %swap3A_576 = vector.shape_cast %and3A_570 : vector<16xi32> to vector<1x16xi32>
        tpu.vector_store %arg6[%swap3A_572, %swap3A_573], %swap3A_576 {strides = array<i32>} : memref<2x128xi32, #tpu.memory_space<vmem>>, vector<1x16xi32>,
        %shift_right_arithmetic3A_577 = arith.constant 16 : i32
        %shift_right_arithmetic3A_578 = vector.broadcast %shift_right_arithmetic3A_577 : i32 to vector<16xi32>
        %shift_right_arithmetic3A_579 = arith.shrsi %get3A_567, %shift_right_arithmetic3A_578 : vector<16xi32>
        %swap3A_580 = arith.constant 0 : i32
        %swap3A_581 = arith.index_cast %swap3A_580 : i32 to index
        %swap3A_582 = arith.constant 32 : index
        %swap3A_583 = tpu.vector_load %arg7[%swap3A_581, %swap3A_582] {strides = array<i32>} : memref<2x128xi32, #tpu.memory_space<vmem>>, vector<1x16xi32>,
        %swap3A_584 = vector.shape_cast %swap3A_583 : vector<1x16xi32> to vector<16xi32>
        %swap3A_585 = vector.shape_cast %shift_right_arithmetic3A_579 : vector<16xi32> to vector<1x16xi32>
        tpu.vector_store %arg7[%swap3A_581, %swap3A_582], %swap3A_585 {strides = array<i32>} : memref<2x128xi32, #tpu.memory_space<vmem>>, vector<1x16xi32>,
        %get3A_586 = arith.index_cast %add3A_470 : i32 to index
        %get3A_587 = arith.constant 48 : index
        %get3A_588 = tpu.vector_load %arg5[%get3A_586, %get3A_587] {strides = array<i32>} : memref<80x128xi32, #tpu.memory_space<vmem>>, vector<1x16xi32>,
        %get3A_589 = vector.shape_cast %get3A_588 : vector<1x16xi32> to vector<16xi32>
        %and3A_590 = arith.constant 65535 : i32
        %and3A_591 = vector.broadcast %and3A_590 : i32 to vector<16xi32>
        %and3A_592 = arith.andi %get3A_589, %and3A_591 : vector<16xi32>
        %swap3A_593 = arith.constant 0 : i32
        %swap3A_594 = arith.index_cast %swap3A_593 : i32 to index
        %swap3A_595 = arith.constant 48 : index
        %swap3A_596 = tpu.vector_load %arg6[%swap3A_594, %swap3A_595] {strides = array<i32>} : memref<2x128xi32, #tpu.memory_space<vmem>>, vector<1x16xi32>,
        %swap3A_597 = vector.shape_cast %swap3A_596 : vector<1x16xi32> to vector<16xi32>
        %swap3A_598 = vector.shape_cast %and3A_592 : vector<16xi32> to vector<1x16xi32>
        tpu.vector_store %arg6[%swap3A_594, %swap3A_595], %swap3A_598 {strides = array<i32>} : memref<2x128xi32, #tpu.memory_space<vmem>>, vector<1x16xi32>,
        %shift_right_arithmetic3A_599 = arith.constant 16 : i32
        %shift_right_arithmetic3A_600 = vector.broadcast %shift_right_arithmetic3A_599 : i32 to vector<16xi32>
        %shift_right_arithmetic3A_601 = arith.shrsi %get3A_589, %shift_right_arithmetic3A_600 : vector<16xi32>
        %swap3A_602 = arith.constant 0 : i32
        %swap3A_603 = arith.index_cast %swap3A_602 : i32 to index
        %swap3A_604 = arith.constant 48 : index
        %swap3A_605 = tpu.vector_load %arg7[%swap3A_603, %swap3A_604] {strides = array<i32>} : memref<2x128xi32, #tpu.memory_space<vmem>>, vector<1x16xi32>,
        %swap3A_606 = vector.shape_cast %swap3A_605 : vector<1x16xi32> to vector<16xi32>
        %swap3A_607 = vector.shape_cast %shift_right_arithmetic3A_601 : vector<16xi32> to vector<1x16xi32>
        tpu.vector_store %arg7[%swap3A_603, %swap3A_604], %swap3A_607 {strides = array<i32>} : memref<2x128xi32, #tpu.memory_space<vmem>>, vector<1x16xi32>,
        %get3A_608 = arith.index_cast %add3A_470 : i32 to index
        %get3A_609 = arith.constant 64 : index
        %get3A_610 = tpu.vector_load %arg5[%get3A_608, %get3A_609] {strides = array<i32>} : memref<80x128xi32, #tpu.memory_space<vmem>>, vector<1x16xi32>,
        %get3A_611 = vector.shape_cast %get3A_610 : vector<1x16xi32> to vector<16xi32>
        %and3A_612 = arith.constant 65535 : i32
        %and3A_613 = vector.broadcast %and3A_612 : i32 to vector<16xi32>
        %and3A_614 = arith.andi %get3A_611, %and3A_613 : vector<16xi32>
        %swap3A_615 = arith.constant 0 : i32
        %swap3A_616 = arith.index_cast %swap3A_615 : i32 to index
        %swap3A_617 = arith.constant 64 : index
        %swap3A_618 = tpu.vector_load %arg6[%swap3A_616, %swap3A_617] {strides = array<i32>} : memref<2x128xi32, #tpu.memory_space<vmem>>, vector<1x16xi32>,
        %swap3A_619 = vector.shape_cast %swap3A_618 : vector<1x16xi32> to vector<16xi32>
        %swap3A_620 = vector.shape_cast %and3A_614 : vector<16xi32> to vector<1x16xi32>
        tpu.vector_store %arg6[%swap3A_616, %swap3A_617], %swap3A_620 {strides = array<i32>} : memref<2x128xi32, #tpu.memory_space<vmem>>, vector<1x16xi32>,
        %shift_right_arithmetic3A_621 = arith.constant 16 : i32
        %shift_right_arithmetic3A_622 = vector.broadcast %shift_right_arithmetic3A_621 : i32 to vector<16xi32>
        %shift_right_arithmetic3A_623 = arith.shrsi %get3A_611, %shift_right_arithmetic3A_622 : vector<16xi32>
        %swap3A_624 = arith.constant 0 : i32
        %swap3A_625 = arith.index_cast %swap3A_624 : i32 to index
        %swap3A_626 = arith.constant 64 : index
        %swap3A_627 = tpu.vector_load %arg7[%swap3A_625, %swap3A_626] {strides = array<i32>} : memref<2x128xi32, #tpu.memory_space<vmem>>, vector<1x16xi32>,
        %swap3A_628 = vector.shape_cast %swap3A_627 : vector<1x16xi32> to vector<16xi32>
        %swap3A_629 = vector.shape_cast %shift_right_arithmetic3A_623 : vector<16xi32> to vector<1x16xi32>
        tpu.vector_store %arg7[%swap3A_625, %swap3A_626], %swap3A_629 {strides = array<i32>} : memref<2x128xi32, #tpu.memory_space<vmem>>, vector<1x16xi32>,
        %get3A_630 = arith.index_cast %add3A_470 : i32 to index
        %get3A_631 = arith.constant 80 : index
        %get3A_632 = tpu.vector_load %arg5[%get3A_630, %get3A_631] {strides = array<i32>} : memref<80x128xi32, #tpu.memory_space<vmem>>, vector<1x16xi32>,
        %get3A_633 = vector.shape_cast %get3A_632 : vector<1x16xi32> to vector<16xi32>
        %and3A_634 = arith.constant 65535 : i32
        %and3A_635 = vector.broadcast %and3A_634 : i32 to vector<16xi32>
        %and3A_636 = arith.andi %get3A_633, %and3A_635 : vector<16xi32>
        %swap3A_637 = arith.constant 0 : i32
        %swap3A_638 = arith.index_cast %swap3A_637 : i32 to index
        %swap3A_639 = arith.constant 80 : index
        %swap3A_640 = tpu.vector_load %arg6[%swap3A_638, %swap3A_639] {strides = array<i32>} : memref<2x128xi32, #tpu.memory_space<vmem>>, vector<1x16xi32>,
        %swap3A_641 = vector.shape_cast %swap3A_640 : vector<1x16xi32> to vector<16xi32>
        %swap3A_642 = vector.shape_cast %and3A_636 : vector<16xi32> to vector<1x16xi32>
        tpu.vector_store %arg6[%swap3A_638, %swap3A_639], %swap3A_642 {strides = array<i32>} : memref<2x128xi32, #tpu.memory_space<vmem>>, vector<1x16xi32>,
        %shift_right_arithmetic3A_643 = arith.constant 16 : i32
        %shift_right_arithmetic3A_644 = vector.broadcast %shift_right_arithmetic3A_643 : i32 to vector<16xi32>
        %shift_right_arithmetic3A_645 = arith.shrsi %get3A_633, %shift_right_arithmetic3A_644 : vector<16xi32>
        %swap3A_646 = arith.constant 0 : i32
        %swap3A_647 = arith.index_cast %swap3A_646 : i32 to index
        %swap3A_648 = arith.constant 80 : index
        %swap3A_649 = tpu.vector_load %arg7[%swap3A_647, %swap3A_648] {strides = array<i32>} : memref<2x128xi32, #tpu.memory_space<vmem>>, vector<1x16xi32>,
        %swap3A_650 = vector.shape_cast %swap3A_649 : vector<1x16xi32> to vector<16xi32>
        %swap3A_651 = vector.shape_cast %shift_right_arithmetic3A_645 : vector<16xi32> to vector<1x16xi32>
        tpu.vector_store %arg7[%swap3A_647, %swap3A_648], %swap3A_651 {strides = array<i32>} : memref<2x128xi32, #tpu.memory_space<vmem>>, vector<1x16xi32>,
        %get3A_652 = arith.index_cast %add3A_470 : i32 to index
        %get3A_653 = arith.constant 96 : index
        %get3A_654 = tpu.vector_load %arg5[%get3A_652, %get3A_653] {strides = array<i32>} : memref<80x128xi32, #tpu.memory_space<vmem>>, vector<1x16xi32>,
        %get3A_655 = vector.shape_cast %get3A_654 : vector<1x16xi32> to vector<16xi32>
        %and3A_656 = arith.constant 65535 : i32
        %and3A_657 = vector.broadcast %and3A_656 : i32 to vector<16xi32>
        %and3A_658 = arith.andi %get3A_655, %and3A_657 : vector<16xi32>
        %swap3A_659 = arith.constant 0 : i32
        %swap3A_660 = arith.index_cast %swap3A_659 : i32 to index
        %swap3A_661 = arith.constant 96 : index
        %swap3A_662 = tpu.vector_load %arg6[%swap3A_660, %swap3A_661] {strides = array<i32>} : memref<2x128xi32, #tpu.memory_space<vmem>>, vector<1x16xi32>,
        %swap3A_663 = vector.shape_cast %swap3A_662 : vector<1x16xi32> to vector<16xi32>
        %swap3A_664 = vector.shape_cast %and3A_658 : vector<16xi32> to vector<1x16xi32>
        tpu.vector_store %arg6[%swap3A_660, %swap3A_661], %swap3A_664 {strides = array<i32>} : memref<2x128xi32, #tpu.memory_space<vmem>>, vector<1x16xi32>,
        %shift_right_arithmetic3A_665 = arith.constant 16 : i32
        %shift_right_arithmetic3A_666 = vector.broadcast %shift_right_arithmetic3A_665 : i32 to vector<16xi32>
        %shift_right_arithmetic3A_667 = arith.shrsi %get3A_655, %shift_right_arithmetic3A_666 : vector<16xi32>
        %swap3A_668 = arith.constant 0 : i32
        %swap3A_669 = arith.index_cast %swap3A_668 : i32 to index
        %swap3A_670 = arith.constant 96 : index
        %swap3A_671 = tpu.vector_load %arg7[%swap3A_669, %swap3A_670] {strides = array<i32>} : memref<2x128xi32, #tpu.memory_space<vmem>>, vector<1x16xi32>,
        %swap3A_672 = vector.shape_cast %swap3A_671 : vector<1x16xi32> to vector<16xi32>
        %swap3A_673 = vector.shape_cast %shift_right_arithmetic3A_667 : vector<16xi32> to vector<1x16xi32>
        tpu.vector_store %arg7[%swap3A_669, %swap3A_670], %swap3A_673 {strides = array<i32>} : memref<2x128xi32, #tpu.memory_space<vmem>>, vector<1x16xi32>,
        %get3A_674 = arith.index_cast %add3A_470 : i32 to index
        %get3A_675 = arith.constant 112 : index
        %get3A_676 = tpu.vector_load %arg5[%get3A_674, %get3A_675] {strides = array<i32>} : memref<80x128xi32, #tpu.memory_space<vmem>>, vector<1x16xi32>,
        %get3A_677 = vector.shape_cast %get3A_676 : vector<1x16xi32> to vector<16xi32>
        %and3A_678 = arith.constant 65535 : i32
        %and3A_679 = vector.broadcast %and3A_678 : i32 to vector<16xi32>
        %and3A_680 = arith.andi %get3A_677, %and3A_679 : vector<16xi32>
        %swap3A_681 = arith.constant 0 : i32
        %swap3A_682 = arith.index_cast %swap3A_681 : i32 to index
        %swap3A_683 = arith.constant 112 : index
        %swap3A_684 = tpu.vector_load %arg6[%swap3A_682, %swap3A_683] {strides = array<i32>} : memref<2x128xi32, #tpu.memory_space<vmem>>, vector<1x16xi32>,
        %swap3A_685 = vector.shape_cast %swap3A_684 : vector<1x16xi32> to vector<16xi32>
        %swap3A_686 = vector.shape_cast %and3A_680 : vector<16xi32> to vector<1x16xi32>
        tpu.vector_store %arg6[%swap3A_682, %swap3A_683], %swap3A_686 {strides = array<i32>} : memref<2x128xi32, #tpu.memory_space<vmem>>, vector<1x16xi32>,
        %shift_right_arithmetic3A_687 = arith.constant 16 : i32
        %shift_right_arithmetic3A_688 = vector.broadcast %shift_right_arithmetic3A_687 : i32 to vector<16xi32>
        %shift_right_arithmetic3A_689 = arith.shrsi %get3A_677, %shift_right_arithmetic3A_688 : vector<16xi32>
        %swap3A_690 = arith.constant 0 : i32
        %swap3A_691 = arith.index_cast %swap3A_690 : i32 to index
        %swap3A_692 = arith.constant 112 : index
        %swap3A_693 = tpu.vector_load %arg7[%swap3A_691, %swap3A_692] {strides = array<i32>} : memref<2x128xi32, #tpu.memory_space<vmem>>, vector<1x16xi32>,
        %swap3A_694 = vector.shape_cast %swap3A_693 : vector<1x16xi32> to vector<16xi32>
        %swap3A_695 = vector.shape_cast %shift_right_arithmetic3A_689 : vector<16xi32> to vector<1x16xi32>
        tpu.vector_store %arg7[%swap3A_691, %swap3A_692], %swap3A_695 {strides = array<i32>} : memref<2x128xi32, #tpu.memory_space<vmem>>, vector<1x16xi32>,
        %dma_start3A_696 = arith.constant 0 : i32
        %dma_start3A_697 = arith.constant 0 : i32
        %dma_start3A_698 = arith.constant 0 : i32
        %dma_start3A_699 = arith.constant 0 : i32
        %dma_start3A_700 = tpu.memref_slice %arg8[%dma_start3A_697, %dma_start3A_698, %dma_start3A_699] : memref<2x128x128xf32, #tpu.memory_space<vmem>> -> memref<1x128x128xf32, #tpu.memory_space<vmem>>
        %dma_start3A_701 = tpu.memref_squeeze %dma_start3A_700 : memref<1x128x128xf32, #tpu.memory_space<vmem>> -> memref<128x128xf32, #tpu.memory_space<vmem>>
        %dma_start3A_702 = arith.constant 0 : i32
        %dma_start3A_703 = tpu.memref_slice %arg6[%dma_start3A_696, %dma_start3A_702] : memref<2x128xi32, #tpu.memory_space<vmem>> -> memref<1x128xi32, #tpu.memory_space<vmem>>
        %dma_start3A_704 = tpu.memref_squeeze %dma_start3A_703 : memref<1x128xi32, #tpu.memory_space<vmem>> -> memref<128xi32, #tpu.memory_space<vmem>>
        %dma_start3A_705 = arith.constant 0 : i32
        %dma_start3A_706 = arith.constant 0 : i32
        %dma_start3A_707 = tpu.memref_slice %arg2[%dma_start3A_705, %dma_start3A_706] : memref<10000x128xf32, #tpu.memory_space<hbm>> -> memref<10000x128xf32, #tpu.memory_space<hbm>>
        tpu.enqueue_indirect_dma source(%dma_start3A_707 : memref<10000x128xf32, #tpu.memory_space<hbm>>) target(%dma_start3A_701 : memref<128x128xf32, #tpu.memory_space<vmem>>) offsets(%dma_start3A_704 : memref<128xi32, #tpu.memory_space<vmem>>) semaphore(%arg10 : memref<!tpu.dma_semaphore, #tpu.memory_space<semaphore_mem>>)
      } else {
      }
      %mul3A_473 = arith.constant 2 : i32
      %mul3A_474 = arith.muli %scan3A_440, %mul3A_473 : i32
      %add3A_475 = arith.constant 1 : i32
      %add3A_476 = arith.addi %mul3A_474, %add3A_475 : i32
      %dma_wait3A_477 = arith.constant 1 : i32
      %dma_wait3A_478 = arith.constant 1 : i32
      %dma_wait3A_479 = arith.constant 0 : i32
      %dma_wait3A_480 = arith.constant 0 : i32
      %dma_wait3A_481 = tpu.memref_slice %arg8[%dma_wait3A_478, %dma_wait3A_479, %dma_wait3A_480] : memref<2x128x128xf32, #tpu.memory_space<vmem>> -> memref<1x128x128xf32, #tpu.memory_space<vmem>>
      %dma_wait3A_482 = tpu.memref_squeeze %dma_wait3A_481 : memref<1x128x128xf32, #tpu.memory_space<vmem>> -> memref<128x128xf32, #tpu.memory_space<vmem>>
      %dma_wait3A_483 = arith.constant 0 : i32
      %dma_wait3A_484 = tpu.memref_slice %arg6[%dma_wait3A_477, %dma_wait3A_483] : memref<2x128xi32, #tpu.memory_space<vmem>> -> memref<1x128xi32, #tpu.memory_space<vmem>>
      %dma_wait3A_485 = tpu.memref_squeeze %dma_wait3A_484 : memref<1x128xi32, #tpu.memory_space<vmem>> -> memref<128xi32, #tpu.memory_space<vmem>>
      %dma_wait3A_486 = arith.constant 0 : i32
      %dma_wait3A_487 = arith.constant 0 : i32
      %dma_wait3A_488 = tpu.memref_slice %arg2[%dma_wait3A_486, %dma_wait3A_487] : memref<10000x128xf32, #tpu.memory_space<hbm>> -> memref<10000x128xf32, #tpu.memory_space<hbm>>
      tpu.wait_indirect_dma semaphore(%arg11 : memref<!tpu.dma_semaphore, #tpu.memory_space<semaphore_mem>>) src(%dma_wait3A_488 : memref<10000x128xf32, #tpu.memory_space<hbm>>) dst(%dma_wait3A_482 : memref<128x128xf32, #tpu.memory_space<vmem>>)
      %dma_start3A_489 = arith.constant 1 : i32
      %dma_start3A_490 = arith.constant 1 : i32
      %dma_start3A_491 = arith.constant 0 : i32
      %dma_start3A_492 = arith.constant 0 : i32
      %dma_start3A_493 = tpu.memref_slice %arg8[%dma_start3A_489, %dma_start3A_491, %dma_start3A_492] : memref<2x128x128xf32, #tpu.memory_space<vmem>> -> memref<1x128x128xf32, #tpu.memory_space<vmem>>
      %dma_start3A_494 = tpu.memref_squeeze %dma_start3A_493 : memref<1x128x128xf32, #tpu.memory_space<vmem>> -> memref<128x128xf32, #tpu.memory_space<vmem>>
      %dma_start3A_495 = arith.constant 0 : i32
      %dma_start3A_496 = tpu.memref_slice %arg7[%dma_start3A_490, %dma_start3A_495] : memref<2x128xi32, #tpu.memory_space<vmem>> -> memref<1x128xi32, #tpu.memory_space<vmem>>
      %dma_start3A_497 = tpu.memref_squeeze %dma_start3A_496 : memref<1x128xi32, #tpu.memory_space<vmem>> -> memref<128xi32, #tpu.memory_space<vmem>>
      %dma_start3A_498 = arith.constant 0 : i32
      %dma_start3A_499 = arith.constant 0 : i32
      %dma_start3A_500 = tpu.memref_slice %arg9[%dma_start3A_498, %dma_start3A_499] : memref<10240x128xf32, #tpu.memory_space<vmem_shared>> -> memref<10240x128xf32, #tpu.memory_space<vmem_shared>>
      tpu.enqueue_indirect_dma source(%dma_start3A_494 : memref<128x128xf32, #tpu.memory_space<vmem>>) target(%dma_start3A_500 : memref<10240x128xf32, #tpu.memory_space<vmem_shared>>) offsets(%dma_start3A_497 : memref<128xi32, #tpu.memory_space<vmem>>) semaphore(%arg13 : memref<!tpu.dma_semaphore, #tpu.memory_space<semaphore_mem>>) {add = true}
      %add3A_501 = arith.constant 2 : i32
      %add3A_502 = arith.addi %add3A_476, %add3A_501 : i32
      %lt3A_503 = arith.constant 80 : i32
      %lt3A_504 = arith.cmpi slt, %add3A_502, %lt3A_503 : i32
      %convert_element_type3A_505 = arith.extui %lt3A_504 : i1 to i32
      %cond3A_506 = arith.constant 0 : i32
      %cond3A_507 = arith.cmpi ne, %convert_element_type3A_505, %cond3A_506 : i32
      scf.if %cond3A_507 {
        %dma_wait3A_508 = arith.constant 1 : i32
        %dma_wait3A_509 = arith.constant 1 : i32
        %dma_wait3A_510 = arith.constant 0 : i32
        %dma_wait3A_511 = arith.constant 0 : i32
        %dma_wait3A_512 = tpu.memref_slice %arg8[%dma_wait3A_508, %dma_wait3A_510, %dma_wait3A_511] : memref<2x128x128xf32, #tpu.memory_space<vmem>> -> memref<1x128x128xf32, #tpu.memory_space<vmem>>
        %dma_wait3A_513 = tpu.memref_squeeze %dma_wait3A_512 : memref<1x128x128xf32, #tpu.memory_space<vmem>> -> memref<128x128xf32, #tpu.memory_space<vmem>>
        %dma_wait3A_514 = arith.constant 0 : i32
        %dma_wait3A_515 = tpu.memref_slice %arg7[%dma_wait3A_509, %dma_wait3A_514] : memref<2x128xi32, #tpu.memory_space<vmem>> -> memref<1x128xi32, #tpu.memory_space<vmem>>
        %dma_wait3A_516 = tpu.memref_squeeze %dma_wait3A_515 : memref<1x128xi32, #tpu.memory_space<vmem>> -> memref<128xi32, #tpu.memory_space<vmem>>
        %dma_wait3A_517 = arith.constant 0 : i32
        %dma_wait3A_518 = arith.constant 0 : i32
        %dma_wait3A_519 = tpu.memref_slice %arg9[%dma_wait3A_517, %dma_wait3A_518] : memref<10240x128xf32, #tpu.memory_space<vmem_shared>> -> memref<10240x128xf32, #tpu.memory_space<vmem_shared>>
        tpu.wait_indirect_dma semaphore(%arg13 : memref<!tpu.dma_semaphore, #tpu.memory_space<semaphore_mem>>) src(%dma_wait3A_513 : memref<128x128xf32, #tpu.memory_space<vmem>>) dst(%dma_wait3A_519 : memref<10240x128xf32, #tpu.memory_space<vmem_shared>>)
        %get3A_520 = arith.index_cast %add3A_502 : i32 to index
        %get3A_521 = arith.constant 0 : index
        %get3A_522 = tpu.vector_load %arg5[%get3A_520, %get3A_521] {strides = array<i32>} : memref<80x128xi32, #tpu.memory_space<vmem>>, vector<1x16xi32>,
        %get3A_523 = vector.shape_cast %get3A_522 : vector<1x16xi32> to vector<16xi32>
        %and3A_524 = arith.constant 65535 : i32
        %and3A_525 = vector.broadcast %and3A_524 : i32 to vector<16xi32>
        %and3A_526 = arith.andi %get3A_523, %and3A_525 : vector<16xi32>
        %swap3A_527 = arith.constant 1 : i32
        %swap3A_528 = arith.index_cast %swap3A_527 : i32 to index
        %swap3A_529 = arith.constant 0 : index
        %swap3A_530 = tpu.vector_load %arg6[%swap3A_528, %swap3A_529] {strides = array<i32>} : memref<2x128xi32, #tpu.memory_space<vmem>>, vector<1x16xi32>,
        %swap3A_531 = vector.shape_cast %swap3A_530 : vector<1x16xi32> to vector<16xi32>
        %swap3A_532 = vector.shape_cast %and3A_526 : vector<16xi32> to vector<1x16xi32>
        tpu.vector_store %arg6[%swap3A_528, %swap3A_529], %swap3A_532 {strides = array<i32>} : memref<2x128xi32, #tpu.memory_space<vmem>>, vector<1x16xi32>,
        %shift_right_arithmetic3A_533 = arith.constant 16 : i32
        %shift_right_arithmetic3A_534 = vector.broadcast %shift_right_arithmetic3A_533 : i32 to vector<16xi32>
        %shift_right_arithmetic3A_535 = arith.shrsi %get3A_523, %shift_right_arithmetic3A_534 : vector<16xi32>
        %swap3A_536 = arith.constant 1 : i32
        %swap3A_537 = arith.index_cast %swap3A_536 : i32 to index
        %swap3A_538 = arith.constant 0 : index
        %swap3A_539 = tpu.vector_load %arg7[%swap3A_537, %swap3A_538] {strides = array<i32>} : memref<2x128xi32, #tpu.memory_space<vmem>>, vector<1x16xi32>,
        %swap3A_540 = vector.shape_cast %swap3A_539 : vector<1x16xi32> to vector<16xi32>
        %swap3A_541 = vector.shape_cast %shift_right_arithmetic3A_535 : vector<16xi32> to vector<1x16xi32>
        tpu.vector_store %arg7[%swap3A_537, %swap3A_538], %swap3A_541 {strides = array<i32>} : memref<2x128xi32, #tpu.memory_space<vmem>>, vector<1x16xi32>,
        %get3A_542 = arith.index_cast %add3A_502 : i32 to index
        %get3A_543 = arith.constant 16 : index
        %get3A_544 = tpu.vector_load %arg5[%get3A_542, %get3A_543] {strides = array<i32>} : memref<80x128xi32, #tpu.memory_space<vmem>>, vector<1x16xi32>,
        %get3A_545 = vector.shape_cast %get3A_544 : vector<1x16xi32> to vector<16xi32>
        %and3A_546 = arith.constant 65535 : i32
        %and3A_547 = vector.broadcast %and3A_546 : i32 to vector<16xi32>
        %and3A_548 = arith.andi %get3A_545, %and3A_547 : vector<16xi32>
        %swap3A_549 = arith.constant 1 : i32
        %swap3A_550 = arith.index_cast %swap3A_549 : i32 to index
        %swap3A_551 = arith.constant 16 : index
        %swap3A_552 = tpu.vector_load %arg6[%swap3A_550, %swap3A_551] {strides = array<i32>} : memref<2x128xi32, #tpu.memory_space<vmem>>, vector<1x16xi32>,
        %swap3A_553 = vector.shape_cast %swap3A_552 : vector<1x16xi32> to vector<16xi32>
        %swap3A_554 = vector.shape_cast %and3A_548 : vector<16xi32> to vector<1x16xi32>
        tpu.vector_store %arg6[%swap3A_550, %swap3A_551], %swap3A_554 {strides = array<i32>} : memref<2x128xi32, #tpu.memory_space<vmem>>, vector<1x16xi32>,
        %shift_right_arithmetic3A_555 = arith.constant 16 : i32
        %shift_right_arithmetic3A_556 = vector.broadcast %shift_right_arithmetic3A_555 : i32 to vector<16xi32>
        %shift_right_arithmetic3A_557 = arith.shrsi %get3A_545, %shift_right_arithmetic3A_556 : vector<16xi32>
        %swap3A_558 = arith.constant 1 : i32
        %swap3A_559 = arith.index_cast %swap3A_558 : i32 to index
        %swap3A_560 = arith.constant 16 : index
        %swap3A_561 = tpu.vector_load %arg7[%swap3A_559, %swap3A_560] {strides = array<i32>} : memref<2x128xi32, #tpu.memory_space<vmem>>, vector<1x16xi32>,
        %swap3A_562 = vector.shape_cast %swap3A_561 : vector<1x16xi32> to vector<16xi32>
        %swap3A_563 = vector.shape_cast %shift_right_arithmetic3A_557 : vector<16xi32> to vector<1x16xi32>
        tpu.vector_store %arg7[%swap3A_559, %swap3A_560], %swap3A_563 {strides = array<i32>} : memref<2x128xi32, #tpu.memory_space<vmem>>, vector<1x16xi32>,
        %get3A_564 = arith.index_cast %add3A_502 : i32 to index
        %get3A_565 = arith.constant 32 : index
        %get3A_566 = tpu.vector_load %arg5[%get3A_564, %get3A_565] {strides = array<i32>} : memref<80x128xi32, #tpu.memory_space<vmem>>, vector<1x16xi32>,
        %get3A_567 = vector.shape_cast %get3A_566 : vector<1x16xi32> to vector<16xi32>
        %and3A_568 = arith.constant 65535 : i32
        %and3A_569 = vector.broadcast %and3A_568 : i32 to vector<16xi32>
        %and3A_570 = arith.andi %get3A_567, %and3A_569 : vector<16xi32>
        %swap3A_571 = arith.constant 1 : i32
        %swap3A_572 = arith.index_cast %swap3A_571 : i32 to index
        %swap3A_573 = arith.constant 32 : index
        %swap3A_574 = tpu.vector_load %arg6[%swap3A_572, %swap3A_573] {strides = array<i32>} : memref<2x128xi32, #tpu.memory_space<vmem>>, vector<1x16xi32>,
        %swap3A_575 = vector.shape_cast %swap3A_574 : vector<1x16xi32> to vector<16xi32>
        %swap3A_576 = vector.shape_cast %and3A_570 : vector<16xi32> to vector<1x16xi32>
        tpu.vector_store %arg6[%swap3A_572, %swap3A_573], %swap3A_576 {strides = array<i32>} : memref<2x128xi32, #tpu.memory_space<vmem>>, vector<1x16xi32>,
        %shift_right_arithmetic3A_577 = arith.constant 16 : i32
        %shift_right_arithmetic3A_578 = vector.broadcast %shift_right_arithmetic3A_577 : i32 to vector<16xi32>
        %shift_right_arithmetic3A_579 = arith.shrsi %get3A_567, %shift_right_arithmetic3A_578 : vector<16xi32>
        %swap3A_580 = arith.constant 1 : i32
        %swap3A_581 = arith.index_cast %swap3A_580 : i32 to index
        %swap3A_582 = arith.constant 32 : index
        %swap3A_583 = tpu.vector_load %arg7[%swap3A_581, %swap3A_582] {strides = array<i32>} : memref<2x128xi32, #tpu.memory_space<vmem>>, vector<1x16xi32>,
        %swap3A_584 = vector.shape_cast %swap3A_583 : vector<1x16xi32> to vector<16xi32>
        %swap3A_585 = vector.shape_cast %shift_right_arithmetic3A_579 : vector<16xi32> to vector<1x16xi32>
        tpu.vector_store %arg7[%swap3A_581, %swap3A_582], %swap3A_585 {strides = array<i32>} : memref<2x128xi32, #tpu.memory_space<vmem>>, vector<1x16xi32>,
        %get3A_586 = arith.index_cast %add3A_502 : i32 to index
        %get3A_587 = arith.constant 48 : index
        %get3A_588 = tpu.vector_load %arg5[%get3A_586, %get3A_587] {strides = array<i32>} : memref<80x128xi32, #tpu.memory_space<vmem>>, vector<1x16xi32>,
        %get3A_589 = vector.shape_cast %get3A_588 : vector<1x16xi32> to vector<16xi32>
        %and3A_590 = arith.constant 65535 : i32
        %and3A_591 = vector.broadcast %and3A_590 : i32 to vector<16xi32>
        %and3A_592 = arith.andi %get3A_589, %and3A_591 : vector<16xi32>
        %swap3A_593 = arith.constant 1 : i32
        %swap3A_594 = arith.index_cast %swap3A_593 : i32 to index
        %swap3A_595 = arith.constant 48 : index
        %swap3A_596 = tpu.vector_load %arg6[%swap3A_594, %swap3A_595] {strides = array<i32>} : memref<2x128xi32, #tpu.memory_space<vmem>>, vector<1x16xi32>,
        %swap3A_597 = vector.shape_cast %swap3A_596 : vector<1x16xi32> to vector<16xi32>
        %swap3A_598 = vector.shape_cast %and3A_592 : vector<16xi32> to vector<1x16xi32>
        tpu.vector_store %arg6[%swap3A_594, %swap3A_595], %swap3A_598 {strides = array<i32>} : memref<2x128xi32, #tpu.memory_space<vmem>>, vector<1x16xi32>,
        %shift_right_arithmetic3A_599 = arith.constant 16 : i32
        %shift_right_arithmetic3A_600 = vector.broadcast %shift_right_arithmetic3A_599 : i32 to vector<16xi32>
        %shift_right_arithmetic3A_601 = arith.shrsi %get3A_589, %shift_right_arithmetic3A_600 : vector<16xi32>
        %swap3A_602 = arith.constant 1 : i32
        %swap3A_603 = arith.index_cast %swap3A_602 : i32 to index
        %swap3A_604 = arith.constant 48 : index
        %swap3A_605 = tpu.vector_load %arg7[%swap3A_603, %swap3A_604] {strides = array<i32>} : memref<2x128xi32, #tpu.memory_space<vmem>>, vector<1x16xi32>,
        %swap3A_606 = vector.shape_cast %swap3A_605 : vector<1x16xi32> to vector<16xi32>
        %swap3A_607 = vector.shape_cast %shift_right_arithmetic3A_601 : vector<16xi32> to vector<1x16xi32>
        tpu.vector_store %arg7[%swap3A_603, %swap3A_604], %swap3A_607 {strides = array<i32>} : memref<2x128xi32, #tpu.memory_space<vmem>>, vector<1x16xi32>,
        %get3A_608 = arith.index_cast %add3A_502 : i32 to index
        %get3A_609 = arith.constant 64 : index
        %get3A_610 = tpu.vector_load %arg5[%get3A_608, %get3A_609] {strides = array<i32>} : memref<80x128xi32, #tpu.memory_space<vmem>>, vector<1x16xi32>,
        %get3A_611 = vector.shape_cast %get3A_610 : vector<1x16xi32> to vector<16xi32>
        %and3A_612 = arith.constant 65535 : i32
        %and3A_613 = vector.broadcast %and3A_612 : i32 to vector<16xi32>
        %and3A_614 = arith.andi %get3A_611, %and3A_613 : vector<16xi32>
        %swap3A_615 = arith.constant 1 : i32
        %swap3A_616 = arith.index_cast %swap3A_615 : i32 to index
        %swap3A_617 = arith.constant 64 : index
        %swap3A_618 = tpu.vector_load %arg6[%swap3A_616, %swap3A_617] {strides = array<i32>} : memref<2x128xi32, #tpu.memory_space<vmem>>, vector<1x16xi32>,
        %swap3A_619 = vector.shape_cast %swap3A_618 : vector<1x16xi32> to vector<16xi32>
        %swap3A_620 = vector.shape_cast %and3A_614 : vector<16xi32> to vector<1x16xi32>
        tpu.vector_store %arg6[%swap3A_616, %swap3A_617], %swap3A_620 {strides = array<i32>} : memref<2x128xi32, #tpu.memory_space<vmem>>, vector<1x16xi32>,
        %shift_right_arithmetic3A_621 = arith.constant 16 : i32
        %shift_right_arithmetic3A_622 = vector.broadcast %shift_right_arithmetic3A_621 : i32 to vector<16xi32>
        %shift_right_arithmetic3A_623 = arith.shrsi %get3A_611, %shift_right_arithmetic3A_622 : vector<16xi32>
        %swap3A_624 = arith.constant 1 : i32
        %swap3A_625 = arith.index_cast %swap3A_624 : i32 to index
        %swap3A_626 = arith.constant 64 : index
        %swap3A_627 = tpu.vector_load %arg7[%swap3A_625, %swap3A_626] {strides = array<i32>} : memref<2x128xi32, #tpu.memory_space<vmem>>, vector<1x16xi32>,
        %swap3A_628 = vector.shape_cast %swap3A_627 : vector<1x16xi32> to vector<16xi32>
        %swap3A_629 = vector.shape_cast %shift_right_arithmetic3A_623 : vector<16xi32> to vector<1x16xi32>
        tpu.vector_store %arg7[%swap3A_625, %swap3A_626], %swap3A_629 {strides = array<i32>} : memref<2x128xi32, #tpu.memory_space<vmem>>, vector<1x16xi32>,
        %get3A_630 = arith.index_cast %add3A_502 : i32 to index
        %get3A_631 = arith.constant 80 : index
        %get3A_632 = tpu.vector_load %arg5[%get3A_630, %get3A_631] {strides = array<i32>} : memref<80x128xi32, #tpu.memory_space<vmem>>, vector<1x16xi32>,
        %get3A_633 = vector.shape_cast %get3A_632 : vector<1x16xi32> to vector<16xi32>
        %and3A_634 = arith.constant 65535 : i32
        %and3A_635 = vector.broadcast %and3A_634 : i32 to vector<16xi32>
        %and3A_636 = arith.andi %get3A_633, %and3A_635 : vector<16xi32>
        %swap3A_637 = arith.constant 1 : i32
        %swap3A_638 = arith.index_cast %swap3A_637 : i32 to index
        %swap3A_639 = arith.constant 80 : index
        %swap3A_640 = tpu.vector_load %arg6[%swap3A_638, %swap3A_639] {strides = array<i32>} : memref<2x128xi32, #tpu.memory_space<vmem>>, vector<1x16xi32>,
        %swap3A_641 = vector.shape_cast %swap3A_640 : vector<1x16xi32> to vector<16xi32>
        %swap3A_642 = vector.shape_cast %and3A_636 : vector<16xi32> to vector<1x16xi32>
        tpu.vector_store %arg6[%swap3A_638, %swap3A_639], %swap3A_642 {strides = array<i32>} : memref<2x128xi32, #tpu.memory_space<vmem>>, vector<1x16xi32>,
        %shift_right_arithmetic3A_643 = arith.constant 16 : i32
        %shift_right_arithmetic3A_644 = vector.broadcast %shift_right_arithmetic3A_643 : i32 to vector<16xi32>
        %shift_right_arithmetic3A_645 = arith.shrsi %get3A_633, %shift_right_arithmetic3A_644 : vector<16xi32>
        %swap3A_646 = arith.constant 1 : i32
        %swap3A_647 = arith.index_cast %swap3A_646 : i32 to index
        %swap3A_648 = arith.constant 80 : index
        %swap3A_649 = tpu.vector_load %arg7[%swap3A_647, %swap3A_648] {strides = array<i32>} : memref<2x128xi32, #tpu.memory_space<vmem>>, vector<1x16xi32>,
        %swap3A_650 = vector.shape_cast %swap3A_649 : vector<1x16xi32> to vector<16xi32>
        %swap3A_651 = vector.shape_cast %shift_right_arithmetic3A_645 : vector<16xi32> to vector<1x16xi32>
        tpu.vector_store %arg7[%swap3A_647, %swap3A_648], %swap3A_651 {strides = array<i32>} : memref<2x128xi32, #tpu.memory_space<vmem>>, vector<1x16xi32>,
        %get3A_652 = arith.index_cast %add3A_502 : i32 to index
        %get3A_653 = arith.constant 96 : index
        %get3A_654 = tpu.vector_load %arg5[%get3A_652, %get3A_653] {strides = array<i32>} : memref<80x128xi32, #tpu.memory_space<vmem>>, vector<1x16xi32>,
        %get3A_655 = vector.shape_cast %get3A_654 : vector<1x16xi32> to vector<16xi32>
        %and3A_656 = arith.constant 65535 : i32
        %and3A_657 = vector.broadcast %and3A_656 : i32 to vector<16xi32>
        %and3A_658 = arith.andi %get3A_655, %and3A_657 : vector<16xi32>
        %swap3A_659 = arith.constant 1 : i32
        %swap3A_660 = arith.index_cast %swap3A_659 : i32 to index
        %swap3A_661 = arith.constant 96 : index
        %swap3A_662 = tpu.vector_load %arg6[%swap3A_660, %swap3A_661] {strides = array<i32>} : memref<2x128xi32, #tpu.memory_space<vmem>>, vector<1x16xi32>,
        %swap3A_663 = vector.shape_cast %swap3A_662 : vector<1x16xi32> to vector<16xi32>
        %swap3A_664 = vector.shape_cast %and3A_658 : vector<16xi32> to vector<1x16xi32>
        tpu.vector_store %arg6[%swap3A_660, %swap3A_661], %swap3A_664 {strides = array<i32>} : memref<2x128xi32, #tpu.memory_space<vmem>>, vector<1x16xi32>,
        %shift_right_arithmetic3A_665 = arith.constant 16 : i32
        %shift_right_arithmetic3A_666 = vector.broadcast %shift_right_arithmetic3A_665 : i32 to vector<16xi32>
        %shift_right_arithmetic3A_667 = arith.shrsi %get3A_655, %shift_right_arithmetic3A_666 : vector<16xi32>
        %swap3A_668 = arith.constant 1 : i32
        %swap3A_669 = arith.index_cast %swap3A_668 : i32 to index
        %swap3A_670 = arith.constant 96 : index
        %swap3A_671 = tpu.vector_load %arg7[%swap3A_669, %swap3A_670] {strides = array<i32>} : memref<2x128xi32, #tpu.memory_space<vmem>>, vector<1x16xi32>,
        %swap3A_672 = vector.shape_cast %swap3A_671 : vector<1x16xi32> to vector<16xi32>
        %swap3A_673 = vector.shape_cast %shift_right_arithmetic3A_667 : vector<16xi32> to vector<1x16xi32>
        tpu.vector_store %arg7[%swap3A_669, %swap3A_670], %swap3A_673 {strides = array<i32>} : memref<2x128xi32, #tpu.memory_space<vmem>>, vector<1x16xi32>,
        %get3A_674 = arith.index_cast %add3A_502 : i32 to index
        %get3A_675 = arith.constant 112 : index
        %get3A_676 = tpu.vector_load %arg5[%get3A_674, %get3A_675] {strides = array<i32>} : memref<80x128xi32, #tpu.memory_space<vmem>>, vector<1x16xi32>,
        %get3A_677 = vector.shape_cast %get3A_676 : vector<1x16xi32> to vector<16xi32>
        %and3A_678 = arith.constant 65535 : i32
        %and3A_679 = vector.broadcast %and3A_678 : i32 to vector<16xi32>
        %and3A_680 = arith.andi %get3A_677, %and3A_679 : vector<16xi32>
        %swap3A_681 = arith.constant 1 : i32
        %swap3A_682 = arith.index_cast %swap3A_681 : i32 to index
        %swap3A_683 = arith.constant 112 : index
        %swap3A_684 = tpu.vector_load %arg6[%swap3A_682, %swap3A_683] {strides = array<i32>} : memref<2x128xi32, #tpu.memory_space<vmem>>, vector<1x16xi32>,
        %swap3A_685 = vector.shape_cast %swap3A_684 : vector<1x16xi32> to vector<16xi32>
        %swap3A_686 = vector.shape_cast %and3A_680 : vector<16xi32> to vector<1x16xi32>
        tpu.vector_store %arg6[%swap3A_682, %swap3A_683], %swap3A_686 {strides = array<i32>} : memref<2x128xi32, #tpu.memory_space<vmem>>, vector<1x16xi32>,
        %shift_right_arithmetic3A_687 = arith.constant 16 : i32
        %shift_right_arithmetic3A_688 = vector.broadcast %shift_right_arithmetic3A_687 : i32 to vector<16xi32>
        %shift_right_arithmetic3A_689 = arith.shrsi %get3A_677, %shift_right_arithmetic3A_688 : vector<16xi32>
        %swap3A_690 = arith.constant 1 : i32
        %swap3A_691 = arith.index_cast %swap3A_690 : i32 to index
        %swap3A_692 = arith.constant 112 : index
        %swap3A_693 = tpu.vector_load %arg7[%swap3A_691, %swap3A_692] {strides = array<i32>} : memref<2x128xi32, #tpu.memory_space<vmem>>, vector<1x16xi32>,
        %swap3A_694 = vector.shape_cast %swap3A_693 : vector<1x16xi32> to vector<16xi32>
        %swap3A_695 = vector.shape_cast %shift_right_arithmetic3A_689 : vector<16xi32> to vector<1x16xi32>
        tpu.vector_store %arg7[%swap3A_691, %swap3A_692], %swap3A_695 {strides = array<i32>} : memref<2x128xi32, #tpu.memory_space<vmem>>, vector<1x16xi32>,
        %dma_start3A_696 = arith.constant 1 : i32
        %dma_start3A_697 = arith.constant 1 : i32
        %dma_start3A_698 = arith.constant 0 : i32
        %dma_start3A_699 = arith.constant 0 : i32
        %dma_start3A_700 = tpu.memref_slice %arg8[%dma_start3A_697, %dma_start3A_698, %dma_start3A_699] : memref<2x128x128xf32, #tpu.memory_space<vmem>> -> memref<1x128x128xf32, #tpu.memory_space<vmem>>
        %dma_start3A_701 = tpu.memref_squeeze %dma_start3A_700 : memref<1x128x128xf32, #tpu.memory_space<vmem>> -> memref<128x128xf32, #tpu.memory_space<vmem>>
        %dma_start3A_702 = arith.constant 0 : i32
        %dma_start3A_703 = tpu.memref_slice %arg6[%dma_start3A_696, %dma_start3A_702] : memref<2x128xi32, #tpu.memory_space<vmem>> -> memref<1x128xi32, #tpu.memory_space<vmem>>
        %dma_start3A_704 = tpu.memref_squeeze %dma_start3A_703 : memref<1x128xi32, #tpu.memory_space<vmem>> -> memref<128xi32, #tpu.memory_space<vmem>>
        %dma_start3A_705 = arith.constant 0 : i32
        %dma_start3A_706 = arith.constant 0 : i32
        %dma_start3A_707 = tpu.memref_slice %arg2[%dma_start3A_705, %dma_start3A_706] : memref<10000x128xf32, #tpu.memory_space<hbm>> -> memref<10000x128xf32, #tpu.memory_space<hbm>>
        tpu.enqueue_indirect_dma source(%dma_start3A_707 : memref<10000x128xf32, #tpu.memory_space<hbm>>) target(%dma_start3A_701 : memref<128x128xf32, #tpu.memory_space<vmem>>) offsets(%dma_start3A_704 : memref<128xi32, #tpu.memory_space<vmem>>) semaphore(%arg11 : memref<!tpu.dma_semaphore, #tpu.memory_space<semaphore_mem>>)
      } else {
      }
    }
    %scan3A_415 = arith.constant 40 : i32
    %dma_wait3A = arith.constant 0 : i32
    %dma_wait3A_416 = arith.constant 0 : i32
    %dma_wait3A_417 = arith.constant 0 : i32
    %dma_wait3A_418 = arith.constant 0 : i32
    %dma_wait3A_419 = tpu.memref_slice %arg8[%dma_wait3A, %dma_wait3A_417, %dma_wait3A_418] : memref<2x128x128xf32, #tpu.memory_space<vmem>> -> memref<1x128x128xf32, #tpu.memory_space<vmem>>
    %dma_wait3A_420 = tpu.memref_squeeze %dma_wait3A_419 : memref<1x128x128xf32, #tpu.memory_space<vmem>> -> memref<128x128xf32, #tpu.memory_space<vmem>>
    %dma_wait3A_421 = arith.constant 0 : i32
    %dma_wait3A_422 = tpu.memref_slice %arg7[%dma_wait3A_416, %dma_wait3A_421] : memref<2x128xi32, #tpu.memory_space<vmem>> -> memref<1x128xi32, #tpu.memory_space<vmem>>
    %dma_wait3A_423 = tpu.memref_squeeze %dma_wait3A_422 : memref<1x128xi32, #tpu.memory_space<vmem>> -> memref<128xi32, #tpu.memory_space<vmem>>
    %dma_wait3A_424 = arith.constant 0 : i32
    %dma_wait3A_425 = arith.constant 0 : i32
    %dma_wait3A_426 = tpu.memref_slice %arg9[%dma_wait3A_424, %dma_wait3A_425] : memref<10240x128xf32, #tpu.memory_space<vmem_shared>> -> memref<10240x128xf32, #tpu.memory_space<vmem_shared>>
    tpu.wait_indirect_dma semaphore(%arg12 : memref<!tpu.dma_semaphore, #tpu.memory_space<semaphore_mem>>) src(%dma_wait3A_420 : memref<128x128xf32, #tpu.memory_space<vmem>>) dst(%dma_wait3A_426 : memref<10240x128xf32, #tpu.memory_space<vmem_shared>>)
    %dma_wait3A_427 = arith.constant 1 : i32
    %dma_wait3A_428 = arith.constant 1 : i32
    %dma_wait3A_429 = arith.constant 0 : i32
    %dma_wait3A_430 = arith.constant 0 : i32
    %dma_wait3A_431 = tpu.memref_slice %arg8[%dma_wait3A_427, %dma_wait3A_429, %dma_wait3A_430] : memref<2x128x128xf32, #tpu.memory_space<vmem>> -> memref<1x128x128xf32, #tpu.memory_space<vmem>>
    %dma_wait3A_432 = tpu.memref_squeeze %dma_wait3A_431 : memref<1x128x128xf32, #tpu.memory_space<vmem>> -> memref<128x128xf32, #tpu.memory_space<vmem>>
    %dma_wait3A_433 = arith.constant 0 : i32
    %dma_wait3A_434 = tpu.memref_slice %arg7[%dma_wait3A_428, %dma_wait3A_433] : memref<2x128xi32, #tpu.memory_space<vmem>> -> memref<1x128xi32, #tpu.memory_space<vmem>>
    %dma_wait3A_435 = tpu.memref_squeeze %dma_wait3A_434 : memref<1x128xi32, #tpu.memory_space<vmem>> -> memref<128xi32, #tpu.memory_space<vmem>>
    %dma_wait3A_436 = arith.constant 0 : i32
    %dma_wait3A_437 = arith.constant 0 : i32
    %dma_wait3A_438 = tpu.memref_slice %arg9[%dma_wait3A_436, %dma_wait3A_437] : memref<10240x128xf32, #tpu.memory_space<vmem_shared>> -> memref<10240x128xf32, #tpu.memory_space<vmem_shared>>
    tpu.wait_indirect_dma semaphore(%arg13 : memref<!tpu.dma_semaphore, #tpu.memory_space<semaphore_mem>>) src(%dma_wait3A_432 : memref<128x128xf32, #tpu.memory_space<vmem>>) dst(%dma_wait3A_438 : memref<10240x128xf32, #tpu.memory_space<vmem_shared>>)
    %barrier3A_439 = arith.constant 0 : index
    tpu.barrier barrier_id(%barrier3A_439)
    "tpu.region"() ({
      %run_scoped3A_440 = tpu.sem_alloc : memref<!tpu.dma_semaphore, #tpu.memory_space<semaphore_mem>>
      %dma_start3A_441 = arith.constant 0 : i32
      %dma_start3A_442 = tpu.memref_slice %arg4[%arg0, %mul3A_8, %dma_start3A_441] : memref<2x10240x128xf32, #tpu.memory_space<hbm>> -> memref<1x640x128xf32, #tpu.memory_space<hbm>>
      %dma_start3A_443 = tpu.memref_squeeze %dma_start3A_442 : memref<1x640x128xf32, #tpu.memory_space<hbm>> -> memref<640x128xf32, #tpu.memory_space<hbm>>
      %dma_start3A_444 = arith.constant 0 : i32
      %dma_start3A_445 = tpu.memref_slice %arg9[%mul3A_8, %dma_start3A_444] : memref<10240x128xf32, #tpu.memory_space<vmem_shared>> -> memref<640x128xf32, #tpu.memory_space<vmem_shared>>
      tpu.enqueue_dma source(%dma_start3A_445 : memref<640x128xf32, #tpu.memory_space<vmem_shared>>) target(%dma_start3A_443 : memref<640x128xf32, #tpu.memory_space<hbm>>) target_semaphore(%run_scoped3A_440 : memref<!tpu.dma_semaphore, #tpu.memory_space<semaphore_mem>>)
      %dma_wait3A_446 = arith.constant 0 : i32
      %dma_wait3A_447 = tpu.memref_slice %arg4[%arg0, %mul3A_8, %dma_wait3A_446] : memref<2x10240x128xf32, #tpu.memory_space<hbm>> -> memref<1x640x128xf32, #tpu.memory_space<hbm>>
      %dma_wait3A_448 = tpu.memref_squeeze %dma_wait3A_447 : memref<1x640x128xf32, #tpu.memory_space<hbm>> -> memref<640x128xf32, #tpu.memory_space<hbm>>
      %dma_wait3A_449 = arith.constant 0 : i32
      %dma_wait3A_450 = tpu.memref_slice %arg9[%mul3A_8, %dma_wait3A_449] : memref<10240x128xf32, #tpu.memory_space<vmem_shared>> -> memref<640x128xf32, #tpu.memory_space<vmem_shared>>
      tpu.wait_dma2 semaphore(%run_scoped3A_440 : memref<!tpu.dma_semaphore, #tpu.memory_space<semaphore_mem>>) src(%dma_wait3A_450 : memref<640x128xf32, #tpu.memory_space<vmem_shared>>) dst(%dma_wait3A_448 : memref<640x128xf32, #tpu.memory_space<hbm>>)
      tpu.yield
    }) : () -> ()
    return
  }
}

</mosaic_0001>

<sc_bundles>
// kernel: _sc_aggregate.3.cloned.1.call-start
scs
__scs_entry_jumppad:
0x0: {  	(pc) =	sbr.rel $0x88, $3  }
0x1: {  	(tag) =	ssettag $0x0;
	lr =	simm.s32 $0x1  }
0x2: {  	[smem:$0x3F9F] =	sst lr;
	_ =	strace $0xD0000000  }
0x3: {  	_ = 	snop  }
0x4: {  	_ = 	snop  }
0x5: {  	_ = 	snop  }
0x6: {  	_ = 	snop  }
0x7: {  	_ = 	snop  }
__scs_overlays_trampoline_lowered:
0x8: {  	[smem:$0x3FAE] =	sst s0  }
0x9: {  	[smem:$0x3FAF] =	sst s1  }
0xa: {  	[smem:$0x3FB0] =	sst s2  }
0xb: {  	[smem:$0x3FB1] =	sst s3  }
0xc: {  	[smem:$0x3FB2] =	sst s4  }
0xd: {  	[smem:$0x3FB3] =	sst s5  }
0xe: {  	[smem:$0x3FB4] =	sst s6  }
0xf: {  	[smem:$0x3FB5] =	sst s7  }
0x10: {  	[smem:$0x3FB6] =	sst s8  }
0x11: {  	[smem:$0x3FB7] =	sst s9;
	s0 =	simm.s32 @!p0 $0x0  }
0x12: {  	s1 =	sld [smem:$0x3F9D];
	s0 =	simm.s32 @p0 $0x1  }
0x13: {  	[smem:$0x3FB8] =	sst s0;
	s0 =	simm.s32 @!p1 $0x0  }
0x14: {  	s2 =	sld [smem:$0x3F9C];
	s0 =	simm.s32 @p1 $0x1  }
0x15: {  	[smem:$0x3FB9] =	sst s0;
	s0 =	simm.s32 @!p2 $0x0  }
0x16: {  	s3 =	sld [smem:$0x3FDB];
	s0 =	simm.s32 @p2 $0x1  }
0x17: {  	s4 =	simm.s32 $0x1BF5;
	[smem:$0x3FBB] =	sst s0  }
0x18: {  	s0 =	sld [smem:$0x3F9E];
	_ =	swait.ge [sflag:s4], $0x0  }
0x19: {  	s7 =	sld [smem:$0x3F9F]  }
0x1a: {  	s8 =	sadd.s32 $0xFFFFE003, lr  }
0x1b: {  	s9 =	sadd.s32 $0xFFFFFEF7, lr;
	s5 =	simm.s32 $0xFFFFFFFF;
	p2 =	slt.u32 s8, $0xFFFFF086  }
0x1c: {  	p1 =	slt.u32 s9, $0xF7A;
	s5 =	simm.s32 @!p2 $0x0  }
0x1d: {  	s5 =	simm.s32 @p1 $0x1;
	p0 =	seq.s32 s7, s2  }
0x1e: {  	s7 =	smul.u32 @!p0 $0xF7A, s2;
	p2 =	seq.s32 @!p0 s5, $0x0  }
0x1f: {  	s9 =	smul.u32 $0xF7A, s1;
	s8 =	simm.s32 @!p0 $0x1BF5;
	p2 =	por !p2, p0  }
0x20: {  	[sflag:s8] =	ssyncset.s32 @!p0 $0xFFFFF086;
	s6 =	sadd.s32 @!p0 s3, s7;
	s7 =	simm.s32 @!p0 $0x108  }
0x21: {  	s3 =	sadd.s32 s3, s9;
	s6 =	sadd.s32 @!p0 $0x88, s6;
	s7 =	simm.s32 @p2 $0x1082  }
0x22: {  	[simem:s7], [sflag:s8] =	dma.local @!p0 [hbm:s6], $0xF7A  }
0x23: {  	s9 =	sor.u32 $0xD0000000, s2;
	s6 =	simm.s32 $0x108;
	_ =	swait.ge @!p0 [sflag:s8], $0x0  }
0x24: {  	s3 =	sadd.s32 $0x88, s3;
	s6 =	simm.s32 @!p1 $0x1082;
	[sflag:s4] =	ssyncset.s32 $0xFFFFF086  }
0x25: {  	[simem:s6], [sflag:s4] =	dma.local [hbm:s3], $0xF7A  }
0x26: {  	[smem:$0x3F9F] =	sst s1;
	(tag) =	ssettag s2;
	_ =	strace s9  }
0x27: {  	s1 =	sld [smem:$0x3FAF]  }
0x28: {  	s2 =	sld [smem:$0x3FB0]  }
0x29: {  	s4 =	sld [smem:$0x3FB2]  }
0x2a: {  	p0 =	seq.s32 s5, $0x0;
	s5 =	sld [smem:$0x3FB3]  }
0x2b: {  	s6 =	sld [smem:$0x3FB4]  }
0x2c: {  	s7 =	sld [smem:$0x3FB5]  }
0x2d: {  	s3 =	simm.s32 $0x108;
	s8 =	sld [smem:$0x3FB6]  }
0x2e: {  	s3 =	simm.s32 @!p0 $0x1082;
	s9 =	sld [smem:$0x3FB7]  }
0x2f: {  	lr =	sadd.s32 s0, s3;
	s0 =	sld [smem:$0x3FAE]  }
0x30: {  	s3 =	sld [smem:$0x3FB1]  }
0x31: {  	[smem:$0x3FBA] =	sst s10  }
0x32: {  	s10 =	sld [smem:$0x3FB8];
	_ =	sdelay $0x3  }
0x33: {  	p0 =	seq.s32 s10, $0x1;
	s10 =	sld [smem:$0x3FBA];
	_ =	sdelay $0x3  }
0x34: {  	[smem:$0x3FBA] =	sst s10  }
0x35: {  	s10 =	sld [smem:$0x3FB9];
	_ =	sdelay $0x3  }
0x36: {  	p1 =	seq.s32 s10, $0x1;
	s10 =	sld [smem:$0x3FBA];
	_ =	sdelay $0x3  }
0x37: {  	[smem:$0x3FBA] =	sst s10  }
0x38: {  	s10 =	sld [smem:$0x3FBB]  }
0x39: {  	_ = 	snop;
	(pc) =	sbr.ind lr, $3  }
0x3a: {  	_ = 	snop  }
0x3b: {  	_ = 	snop  }
0x3c: {  	p2 =	seq.s32 s10, $0x1;
	s10 =	sld [smem:$0x3FBA]  }
0x3d: {  	_ =	shalt  }
0x3e: {  	_ =	shalt  }
0x3f: {  	_ =	shalt  }
0x40: {  	_ =	shalt  }
0x41: {  	_ =	shalt  }
0x42: {  	_ =	shalt  }
0x43: {  	_ =	shalt  }
0x44: {  	_ =	shalt  }
0x45: {  	_ =	shalt  }
0x46: {  	_ =	shalt  }
0x47: {  	_ =	shalt  }
0x48: {  	_ =	shalt  }
0x49: {  	_ =	shalt  }
0x4a: {  	_ =	shalt  }
0x4b: {  	_ =	shalt  }
0x4c: {  	_ =	shalt  }
0x4d: {  	_ =	shalt  }
0x4e: {  	_ =	shalt  }
0x4f: {  	_ =	shalt  }
0x50: {  	_ =	shalt  }
0x51: {  	_ =	shalt  }
0x52: {  	_ =	shalt  }
0x53: {  	_ =	shalt  }
0x54: {  	_ =	shalt  }
0x55: {  	_ =	shalt  }
0x56: {  	_ =	shalt  }
0x57: {  	_ =	shalt  }
0x58: {  	_ =	shalt  }
0x59: {  	_ =	shalt  }
0x5a: {  	_ =	shalt  }
0x5b: {  	_ =	shalt  }
0x5c: {  	_ =	shalt  }
0x5d: {  	_ =	shalt  }
0x5e: {  	_ =	shalt  }
0x5f: {  	_ =	shalt  }
0x60: {  	_ =	shalt  }
0x61: {  	_ =	shalt  }
0x62: {  	_ =	shalt  }
0x63: {  	_ =	shalt  }
0x64: {  	_ =	shalt  }
0x65: {  	_ =	shalt  }
0x66: {  	_ =	shalt  }
0x67: {  	_ =	shalt  }
0x68: {  	_ =	shalt  }
0x69: {  	_ =	shalt  }
0x6a: {  	_ =	shalt  }
0x6b: {  	_ =	shalt  }
0x6c: {  	_ =	shalt  }
0x6d: {  	_ =	shalt  }
0x6e: {  	_ =	shalt  }
0x6f: {  	_ =	shalt  }
0x70: {  	_ =	shalt  }
0x71: {  	_ =	shalt  }
0x72: {  	_ =	shalt  }
0x73: {  	_ =	shalt  }
0x74: {  	_ =	shalt  }
0x75: {  	_ =	shalt  }
0x76: {  	_ =	shalt  }
0x77: {  	_ =	shalt  }
0x78: {  	_ =	shalt  }
0x79: {  	_ =	shalt  }
0x7a: {  	_ =	shalt  }
0x7b: {  	_ =	shalt  }
0x7c: {  	_ =	shalt  }
0x7d: {  	_ =	shalt  }
0x7e: {  	_ =	shalt  }
0x7f: {  	_ =	shalt  }
0x80: {  	_ =	shalt  }
0x81: {  	_ =	shalt  }
0x82: {  	_ =	shalt  }
0x83: {  	_ =	shalt  }
0x84: {  	_ =	shalt  }
0x85: {  	_ =	shalt  }
0x86: {  	_ =	shalt  }
0x87: {  	_ =	shalt  }
.Lfunc_end0:
.L_simem_size_0:
called_computation_lowered:
.L_overlay_start_0:
0x88: {  	s2 =	sld [smem:$0x3FD9]  }
0x89: {  	s3 =	sld [smem:$0x3FFE];
	_ =	sdelay $0x1  }
0x8a: {  	s1 =	srdreg.scid  }
0x8b: {  	s0 =	sand.u32 $0x1, s1  }
0x8c: {  	s18 =	sshll.u32 s0, $0xA;
	s2 =	sadd.s32 s3, s2  }
0x8d: {  	s2 =	sadd.s32 s2, s18  }
0x8e: {  	[smem:$0x3FC6] =	sst s2  }
0x8f: {  	_ = 	snop  }
0x90: {  	s2 =	sld [smem:$0x3FC9]  }
0x91: {  	s19 =	sld [smem:$0x3FC8]  }
0x92: {  	s4 =	sld [smem:$0x3FD0];
	(tm) =	ssettm $0x1  }
0x93: {  	s5 =	sld [smem:$0x3FFB];
	_ =	sdelay $0x3  }
0x94: {  	_ =	strace s5  }
0x95: {  	s5 =	sld [smem:$0x3FFC];
	_ =	sdelay $0x3  }
0x96: {  	_ =	strace s5  }
0x97: {  	s5 =	sld [smem:$0x3FFD];
	_ =	sdelay $0x3  }
0x98: {  	_ =	strace s5  }
0x99: {  	_ =	strace $0x8FFFFFFF  }
0x9a: {  	s20 =	sld [smem:$0x3FDB];
	_ =	sdelay $0x1  }
0x9b: {  	s6 =	simm.s32 $_scs_section_size  }
0x9c: {  	s7 =	simm.s32 $_size__tile_overlayer_lowered;
	s8 =	simm.s32 $_tile_overlayer_lowered  }
0x9d: {  	s23 =	simm.s32 $0x1BFF;
	s22 =	sshll.u32 s8, $0x1;
	s5 =	sadd.s32 s6, s20  }
0x9e: {  	s9 =	simm.s32 $0x0;
	s21 =	sshll.u32 s7, $0x1;
	s7 =	sadd.s32 s22, s5  }
0x9f: {  	[timem:s9], [sflag:s23] =	dma.local [hbm:s7], s21  }
0xa0: {  	_ =	swait.ge [sflag:s23], s21  }
0xa1: {  	s6 =	ssub.s32 $0x0, s21;
	[sflag:s23] =	ssyncset.done $0x0  }
0xa2: {  	[sflag:s23] =	ssyncadd.s32 s6;
	_ =	sdelay $0x1  }
0xa3: {  	s24 =	simm.s32 $0x1B8B  }
0xa4: {  	_ =	swait.ge [sflag:s24], $0x1  }
0xa5: {  	[sflag:s24] =	ssyncset.done $0x0  }
0xa6: {  	s25 =	simm.s32 $0x1B8E;
	[sflag:s24] =	ssyncadd.s32 $0xFFFFFFFF  }
0xa7: {  	s26 =	simm.s32 $execute0_lowered;
	[smem:$0x3FD2] =	sst s25  }
0xa8: {  	s6 =	sshll.u32 s26, $0x1;
	_ =	strace $0x80000046;
	[dreg:$0x1] =	wrdreg $0xFFFFFFFF  }
0xa9: {  	s28 =	simm.s32 $_size_execute0_lowered;
	s5 =	sadd.s32 s5, s6;
	[dreg:$0x0] =	wrdreg $0x0  }
0xaa: {  	s6 =	sshll.u32 s28, $0x1;
	[dreg:$0x2] =	wrdreg s5  }
0xab: {  	[dreg:$0x3] =	wrdreg s6  }
0xac: {  	[dreg:$0x4] =	wrdreg $0xC0  }
0xad: {  	_ =	task [dreg:s9], $0x5FFFF  }
0xae: {  	[dreg:$0x1] =	wrdreg $0xFFFFFFFF  }
0xaf: {  	[dreg:$0x0] =	wrdreg $0x60  }
0xb0: {  	[dreg:$0x2] =	wrdreg s2  }
0xb1: {  	[dreg:$0x3] =	wrdreg s19  }
0xb2: {  	[dreg:$0x4] =	wrdreg s4  }
0xb3: {  	[dreg:$0x5] =	wrdreg $0xAA000  }
0xb4: {  	[dreg:$0x6] =	wrdreg $0x9  }
0xb5: {  	_ =	task.clear_ibuf [dreg:s9], $0x7FFFF;
	_ =	strace $0x90000046  }
0xb6: {  	s29 =	simm.s32 $0x9;
	_ =	strace $0x80000048  }
0xb7: {  	_ =	swait.ge [sflag:s29], $0x1  }
0xb8: {  	[sflag:s29] =	ssyncadd.s32 $0xFFFFFFFF  }
0xb9: {  	_ =	strace $0x90000048  }
0xba: {  	_ =	sfence  }
0xbb: {  	s30 =	sld [smem:$0x0];
	_ =	sdelay $0x2  }
0xbc: {  	s31 =	sshll.u32 s1, $0xD;
	s1 =	sshrl.u32 s1, $0x2  }
0xbd: {  	s3 =	sand.u32 $0x4000, s31;
	s1 =	sadd.s32 s1, s30  }
0xbe: {  	s0 =	sor.u32 s3, s0;
	s1 =	sshll.u32 s1, $0x11  }
0xbf: {  	s0 =	sor.u32 s1, s0  }
0xc0: {  	s0 =	sadd.s32 $0x8F2B, s0  }
0xc1: {  	[sflag:s0] =	ssyncadd.remote.s32 $0x1  }
0xc2: {  	_ =	sfence.sel $0xFFFF  }
0xc3: {  	[dreg:$0x0] =	wrdreg $0xFFFFFFFF;
	(pc) =	sbr.abs _section_cstart, $3  }
0xc4: {  	[dreg:$0x1] =	wrdreg $0xFFFFFFFF  }
0xc5: {  	_ =	task.clear_ibuf [dreg:s9], $0x2FFFF;
	_ =	strace $0x9FFFFFFF  }
0xc6: {  	(tm) =	ssettm $0x7FFFFFFF  }
0xc7: {  	_ =	shalt  }
tec
execute0_lowered:
.L_overlay_start_1:
0x0: {  	(tag) =	ssettag $0x1  }
0x1: {  	s1 =	rddreg [dreg:$0x0]  }
0x2: {  	s10 =	rddreg [dreg:$0x1]  }
0x3: {  	s11 =	rddreg [dreg:$0x2]  }
0x4: {  	s3 =	rddreg [dreg:$0x3]  }
0x5: {  	s0 =	rddreg [dreg:$0x4]  }
0x6: {  	s5 =	srdreg.scid;
	s4 =	simm.s32 $0x0;
	s2 =	stileid.u32  }
0x7: {  	s16 =	simm.s32 $0x2800;
	s17 =	simm.s32 $0x2880;
	s18 =	simm.s32 $0x6A00  }
0x8: {  	s19 =	simm.s32 $0x1;
	s20 =	simm.s32 $0x2900;
	s21 =	simm.s32 $0x3  }
0x9: {  	s22 =	simm.s32 $0x2;
	s23 =	simm.s32 $0x2980;
	s24 =	simm.s32 $0x4  }
0xa: {  	s25 =	simm.s32 $0x0;
	s5 =	sand.u32 $0x1, s5;
	s7 =	smul.u32 $0x50000, s2  }
0xb: {  	[smem:$0x7FF] =	sst s4;
	s13 =	smul.u32 $0x14000, s2;
	s6 =	ssub.s32 $0x2, s5  }
0xc: {  	_ =	strace $0x80000047;
	s9 =	sshll.u32 s5, $0x4;
	s12 =	smul.u32 $0x140000, s5  }
0xd: {  	s8 =	sshrl.u32 s6, $0x1;
	s7 =	sshrl.u32 s7, $0x2;
	s9 =	sor.u32 s2, s9  }
0xe: {  	s5 =	sadd.s32 s7, s3;
	s14 =	ssub.s32 s6, s8;
	s15 =	smul.u32 $0x500, s9  }
0xf: {  	s12 =	sadd.s32 s13, s12;
	s13 =	simm.s32 $0x2A00;
	s6 =	sadd.s32 $0x4000, s5  }
0x10: {  	s7 =	sadd.s32 $0x8000, s5;
	s8 =	sadd.s32 $0xC000, s5;
	s12 =	sshrl.u32 s12, $0x3  }
0x11: {  	s9 =	sadd.s32 $0x10000, s5;
	s10 =	sadd.s32 s10, s15;
	s11 =	sadd.s32 s11, s12  }
0x12: {  	v0 =	vimm.f32 $0.0e+00;
	s12 =	smax.u32 s14, $0x1;
	s14 =	simm.s32 $0x5;
	s15 =	simm.s32 $0x80  }
.LBB2_1:
0x13: {  	s26 =	simm.s32 $0x0;
	s28 =	simm.s32 $0x200  }
.LBB2_2:
0x14: {  	p0 =	sne.s32 s28, $0xFE00;
	[tilespmem:s26+$0x2A70] =	vst v0  }
0x15: {  	[tilespmem:s26+$0x2A00] =	vst v0  }
0x16: {  	[tilespmem:s26+$0x2A10] =	vst v0  }
.Ltmp0:
0x17: {  	[tilespmem:s26+$0x2A20] =	vst v0;
	(pc) =	sbr.rel @p0 .LBB2_2-.Ltmp0, $4  }
0x18: {  	[tilespmem:s26+$0x2A30] =	vst v0  }
0x19: {  	[tilespmem:s26+$0x2A40] =	vst v0  }
0x1a: {  	[tilespmem:s26+$0x2A50] =	vst v0  }
0x1b: {  	[tilespmem:s26+$0x2A60] =	vst v0;
	s26 =	sshra.s32 s28, $0x2;
	s28 =	sadd.s32 $0x200, s28  }
0x1c: {  	[tilespmem:s26+$0x2A70] =	vst v0  }
0x1d: {  	[tilespmem:s26+$0x2A00] =	vst v0  }
0x1e: {  	[tilespmem:s26+$0x2A10] =	vst v0  }
0x1f: {  	[tilespmem:s26+$0x2A20] =	vst v0  }
0x20: {  	[tilespmem:s26+$0x2A30] =	vst v0  }
0x21: {  	[tilespmem:s26+$0x2A40] =	vst v0  }
0x22: {  	[tilespmem:s26+$0x2A50] =	vst v0  }
0x23: {  	[tilespmem:s26+$0x2A60] =	vst v0  }
0x24: {  	[spmem:s5] =	stream.linear.scatter [tilespmem:s13], [sflag:$0x5], $0x4000, $0x38;
	[tilespmem:$0x1EA00] =	vst v63  }
0x25: {  	_ =	swait.ge [sflag:s14], $0x4000  }
0x26: {  	[sflag:s14] =	ssyncset.done $0x0  }
0x27: {  	[sflag:s14] =	ssyncadd.s32 $0xFFFFC000  }
0x28: {  	[spmem:s6] =	stream.linear.scatter [tilespmem:s13], [sflag:$0x5], $0x4000, $0x38;
	[tilespmem:$0x1EA00] =	vst v63  }
0x29: {  	_ =	swait.ge [sflag:s14], $0x4000  }
0x2a: {  	[sflag:s14] =	ssyncset.done $0x0  }
0x2b: {  	[sflag:s14] =	ssyncadd.s32 $0xFFFFC000  }
0x2c: {  	[spmem:s7] =	stream.linear.scatter [tilespmem:s13], [sflag:$0x5], $0x4000, $0x38;
	[tilespmem:$0x1EA00] =	vst v63  }
0x2d: {  	_ =	swait.ge [sflag:s14], $0x4000  }
0x2e: {  	[sflag:s14] =	ssyncset.done $0x0  }
0x2f: {  	[sflag:s14] =	ssyncadd.s32 $0xFFFFC000  }
0x30: {  	[spmem:s8] =	stream.linear.scatter [tilespmem:s13], [sflag:$0x5], $0x4000, $0x38;
	[tilespmem:$0x1EA00] =	vst v63  }
0x31: {  	_ =	swait.ge [sflag:s14], $0x4000  }
0x32: {  	[sflag:s14] =	ssyncset.done $0x0  }
0x33: {  	[sflag:s14] =	ssyncadd.s32 $0xFFFFC000  }
0x34: {  	[spmem:s9] =	stream.linear.scatter [tilespmem:s13], [sflag:$0x5], $0x4000, $0x38;
	[tilespmem:$0x1EA00] =	vst v63  }
0x35: {  	_ =	swait.ge [sflag:s14], $0x4000  }
0x36: {  	[sflag:s14] =	ssyncset.done $0x0  }
0x37: {  	[sflag:s14] =	ssyncadd.s32 $0xFFFFC000  }
0x38: {  	[bflag:$0x0] =	sbarrier.arrive $0xFFFF  }
0x39: {  	[tilespmem:s4], [sflag:$0x5] =	stream.linear.gather [hbm4b:s10+s4], $0x2800, $0x38;
	[tilespmem:$0x1EA00] =	vst v63  }
0x3a: {  	_ =	swait.ge [sflag:s14], $0x2800  }
0x3b: {  	[sflag:s14] =	ssyncset.done $0x0  }
0x3c: {  	[sflag:s14] =	ssyncadd.s32 $0xFFFFD800  }
0x3d: {  	v1 =	vld [tilespmem:$0x0];
	_ =	sdelay $0x1  }
0x3e: {  	v2 =	vld [tilespmem:$0x10];
	_ =	sdelay $0x1  }
0x3f: {  	v3 =	vld [tilespmem:$0x20]  }
0x40: {  	v4 =	vand.u32 $0xFFFF, v1  }
0x41: {  	v59 =	vld [tilespmem:$0x30];
	v1 =	vshra.s32 v1, $0x10;
	[tilespmem:$0x2800] =	vst v4  }
0x42: {  	[tilespmem:$0x2900] =	vst v1;
	v1 =	vand.u32 $0xFFFF, v2  }
0x43: {  	[tilespmem:$0x2810] =	vst v1;
	v1 =	vshra.s32 v2, $0x10;
	v2 =	vld [tilespmem:$0x40]  }
0x44: {  	[tilespmem:$0x2910] =	vst v1;
	v1 =	vand.u32 $0xFFFF, v3  }
0x45: {  	[tilespmem:$0x2820] =	vst v1;
	v1 =	vshra.s32 v3, $0x10;
	v3 =	vld [tilespmem:$0x50]  }
0x46: {  	[tilespmem:$0x2920] =	vst v1;
	v1 =	vand.u32 $0xFFFF, v59  }
0x47: {  	v60 =	vld [tilespmem:$0x60];
	[tilespmem:$0x2830] =	vst v1;
	v1 =	vshra.s32 v59, $0x10  }
0x48: {  	[tilespmem:$0x2930] =	vst v1;
	v1 =	vand.u32 $0xFFFF, v2  }
0x49: {  	[tilespmem:$0x2840] =	vst v1;
	v1 =	vshra.s32 v2, $0x10;
	v2 =	vld [tilespmem:$0x70]  }
0x4a: {  	[tilespmem:$0x2940] =	vst v1;
	v1 =	vand.u32 $0xFFFF, v3  }
0x4b: {  	[tilespmem:$0x2850] =	vst v1;
	v1 =	vshra.s32 v3, $0x10  }
0x4c: {  	[tilespmem:$0x2950] =	vst v1;
	v1 =	vand.u32 $0xFFFF, v60  }
0x4d: {  	[tilespmem:$0x2860] =	vst v1;
	v1 =	vshra.s32 v60, $0x10  }
0x4e: {  	[tilespmem:$0x2960] =	vst v1;
	v1 =	vand.u32 $0xFFFF, v2  }
0x4f: {  	[tilespmem:$0x2870] =	vst v1;
	v1 =	vshra.s32 v2, $0x10  }
0x50: {  	[tilespmem:$0x2970] =	vst v1  }
0x51: {  	[tilespmem:s13], [sflag:$0x1] =	stream.indirect.gather [hbm4b:s1+s15], $0x80, s16, s15, $0xb8;
	[tilespmem:$0x1EA00] =	vst v63  }
0x52: {  	v1 =	vld [tilespmem:$0x80];
	_ =	sdelay $0x1  }
0x53: {  	v2 =	vld [tilespmem:$0x90];
	_ =	sdelay $0x1  }
0x54: {  	v3 =	vld [tilespmem:$0xA0]  }
0x55: {  	v61 =	vand.u32 $0xFFFF, v1  }
0x56: {  	v62 =	vld [tilespmem:$0xB0];
	v1 =	vshra.s32 v1, $0x10;
	[tilespmem:$0x2880] =	vst v61  }
0x57: {  	[tilespmem:$0x2980] =	vst v1;
	v1 =	vand.u32 $0xFFFF, v2  }
0x58: {  	[tilespmem:$0x2890] =	vst v1;
	v1 =	vshra.s32 v2, $0x10;
	v2 =	vld [tilespmem:$0xC0]  }
0x59: {  	[tilespmem:$0x2990] =	vst v1;
	v1 =	vand.u32 $0xFFFF, v3  }
0x5a: {  	[tilespmem:$0x28A0] =	vst v1;
	v1 =	vshra.s32 v3, $0x10;
	v3 =	vld [tilespmem:$0xD0]  }
0x5b: {  	[tilespmem:$0x29A0] =	vst v1;
	v1 =	vand.u32 $0xFFFF, v62  }
0x5c: {  	v63 =	vld [tilespmem:$0xE0];
	[tilespmem:$0x28B0] =	vst v1;
	v1 =	vshra.s32 v62, $0x10  }
0x5d: {  	[tilespmem:$0x29B0] =	vst v1;
	v1 =	vand.u32 $0xFFFF, v2  }
0x5e: {  	[tilespmem:$0x28C0] =	vst v1;
	v1 =	vshra.s32 v2, $0x10;
	v2 =	vld [tilespmem:$0xF0]  }
0x5f: {  	[tilespmem:$0x29C0] =	vst v1;
	v1 =	vand.u32 $0xFFFF, v3  }
0x60: {  	[tilespmem:$0x28D0] =	vst v1;
	v1 =	vshra.s32 v3, $0x10  }
0x61: {  	[tilespmem:$0x29D0] =	vst v1;
	v1 =	vand.u32 $0xFFFF, v63  }
0x62: {  	[tilespmem:$0x28E0] =	vst v1;
	v1 =	vshra.s32 v63, $0x10  }
0x63: {  	[tilespmem:$0x29E0] =	vst v1;
	v1 =	vand.u32 $0xFFFF, v2  }
0x64: {  	[tilespmem:$0x28F0] =	vst v1;
	v1 =	vshra.s32 v2, $0x10  }
0x65: {  	[tilespmem:$0x29F0] =	vst v1  }
0x66: {  	[tilespmem:s18], [sflag:$0x2] =	stream.indirect.gather [hbm4b:s1+s15], $0x80, s17, s15, $0xb8;
	[tilespmem:$0x1EA00] =	vst v63  }
0x67: {  	_ =	swait.ge [sflag:s19], $0x4000  }
0x68: {  	[sflag:s19] =	ssyncset.done $0x0  }
0x69: {  	[sflag:s19] =	ssyncadd.s32 $0xFFFFC000  }
0x6a: {  	[spmem:s3] =	stream.indirect.scatter.add.f32 [tilespmem:s13], [sflag:$0x3], $0x80, s20, s15, $0xb8;
	[tilespmem:$0x1EA00] =	vst v63  }
0x6b: {  	_ =	swait.ge [sflag:s21], $0x4000  }
0x6c: {  	[sflag:s21] =	ssyncset.done $0x0  }
0x6d: {  	s26 =	simm.s32 $0x1F0;
	[sflag:s21] =	ssyncadd.s32 $0xFFFFC000  }
0x6e: {  	v1 =	vld [tilespmem:s26+$0xFFFFFF10];
	_ =	sdelay $0x4  }
0x6f: {  	v2 =	vand.u32 $0xFFFF, v1  }
0x70: {  	v1 =	vshra.s32 v1, $0x10;
	[tilespmem:$0x2800] =	vst v2  }
0x71: {  	[tilespmem:$0x2900] =	vst v1  }
0x72: {  	v1 =	vld [tilespmem:s26+$0xFFFFFF20];
	_ =	sdelay $0x4  }
0x73: {  	v2 =	vand.u32 $0xFFFF, v1  }
0x74: {  	v1 =	vshra.s32 v1, $0x10;
	[tilespmem:$0x2810] =	vst v2  }
0x75: {  	[tilespmem:$0x2910] =	vst v1  }
0x76: {  	v1 =	vld [tilespmem:s26+$0xFFFFFF30];
	_ =	sdelay $0x4  }
0x77: {  	v2 =	vand.u32 $0xFFFF, v1  }
0x78: {  	v1 =	vshra.s32 v1, $0x10;
	[tilespmem:$0x2820] =	vst v2  }
0x79: {  	[tilespmem:$0x2920] =	vst v1  }
0x7a: {  	v1 =	vld [tilespmem:s26+$0xFFFFFF40];
	_ =	sdelay $0x4  }
0x7b: {  	v2 =	vand.u32 $0xFFFF, v1  }
0x7c: {  	v1 =	vshra.s32 v1, $0x10;
	[tilespmem:$0x2830] =	vst v2  }
0x7d: {  	[tilespmem:$0x2930] =	vst v1  }
0x7e: {  	v1 =	vld [tilespmem:s26+$0xFFFFFF50];
	_ =	sdelay $0x4  }
0x7f: {  	v2 =	vand.u32 $0xFFFF, v1  }
0x80: {  	v1 =	vshra.s32 v1, $0x10;
	[tilespmem:$0x2840] =	vst v2  }
0x81: {  	[tilespmem:$0x2940] =	vst v1  }
0x82: {  	v1 =	vld [tilespmem:s26+$0xFFFFFF60];
	_ =	sdelay $0x4  }
0x83: {  	v2 =	vand.u32 $0xFFFF, v1  }
0x84: {  	v1 =	vshra.s32 v1, $0x10;
	[tilespmem:$0x2850] =	vst v2  }
0x85: {  	[tilespmem:$0x2950] =	vst v1  }
0x86: {  	v1 =	vld [tilespmem:s26+$0xFFFFFF70];
	_ =	sdelay $0x4  }
0x87: {  	v2 =	vand.u32 $0xFFFF, v1  }
0x88: {  	v1 =	vshra.s32 v1, $0x10;
	[tilespmem:$0x2860] =	vst v2  }
0x89: {  	[tilespmem:$0x2960] =	vst v1  }
0x8a: {  	v1 =	vld [tilespmem:s26+$0xFFFFFF80];
	_ =	sdelay $0x4  }
0x8b: {  	v2 =	vand.u32 $0xFFFF, v1  }
0x8c: {  	v1 =	vshra.s32 v1, $0x10;
	[tilespmem:$0x2870] =	vst v2  }
0x8d: {  	[tilespmem:$0x2970] =	vst v1  }
0x8e: {  	[tilespmem:s13], [sflag:$0x1] =	stream.indirect.gather [hbm4b:s1+s15], $0x80, s16, s15, $0xb8;
	[tilespmem:$0x1EA00] =	vst v63  }
0x8f: {  	_ =	swait.ge [sflag:s22], $0x4000  }
0x90: {  	[sflag:s22] =	ssyncset.done $0x0  }
0x91: {  	[sflag:s22] =	ssyncadd.s32 $0xFFFFC000  }
0x92: {  	[spmem:s3] =	stream.indirect.scatter.add.f32 [tilespmem:s18], [sflag:$0x4], $0x80, s23, s15, $0xb8;
	[tilespmem:$0x1EA00] =	vst v63  }
0x93: {  	_ =	swait.ge [sflag:s24], $0x4000  }
0x94: {  	[sflag:s24] =	ssyncset.done $0x0  }
0x95: {  	[sflag:s24] =	ssyncadd.s32 $0xFFFFC000  }
0x96: {  	v1 =	vld [tilespmem:s26+$0xFFFFFF90];
	_ =	sdelay $0x4  }
0x97: {  	v2 =	vand.u32 $0xFFFF, v1  }
0x98: {  	v1 =	vshra.s32 v1, $0x10;
	[tilespmem:$0x2880] =	vst v2  }
0x99: {  	[tilespmem:$0x2980] =	vst v1  }
0x9a: {  	v1 =	vld [tilespmem:s26+$0xFFFFFFA0];
	_ =	sdelay $0x4  }
0x9b: {  	v2 =	vand.u32 $0xFFFF, v1  }
0x9c: {  	v1 =	vshra.s32 v1, $0x10;
	[tilespmem:$0x2890] =	vst v2  }
0x9d: {  	[tilespmem:$0x2990] =	vst v1  }
0x9e: {  	v1 =	vld [tilespmem:s26+$0xFFFFFFB0];
	_ =	sdelay $0x4  }
0x9f: {  	v2 =	vand.u32 $0xFFFF, v1  }
0xa0: {  	v1 =	vshra.s32 v1, $0x10;
	[tilespmem:$0x28A0] =	vst v2  }
0xa1: {  	[tilespmem:$0x29A0] =	vst v1  }
0xa2: {  	v1 =	vld [tilespmem:s26+$0xFFFFFFC0];
	_ =	sdelay $0x4  }
0xa3: {  	v2 =	vand.u32 $0xFFFF, v1  }
0xa4: {  	v1 =	vshra.s32 v1, $0x10;
	[tilespmem:$0x28B0] =	vst v2  }
0xa5: {  	[tilespmem:$0x29B0] =	vst v1  }
0xa6: {  	v1 =	vld [tilespmem:s26+$0xFFFFFFD0];
	_ =	sdelay $0x4  }
0xa7: {  	v2 =	vand.u32 $0xFFFF, v1  }
0xa8: {  	v1 =	vshra.s32 v1, $0x10;
	[tilespmem:$0x28C0] =	vst v2  }
0xa9: {  	[tilespmem:$0x29C0] =	vst v1  }
0xaa: {  	v1 =	vld [tilespmem:s26+$0xFFFFFFE0];
	_ =	sdelay $0x4  }
0xab: {  	v2 =	vand.u32 $0xFFFF, v1  }
0xac: {  	v1 =	vshra.s32 v1, $0x10;
	[tilespmem:$0x28D0] =	vst v2  }
0xad: {  	[tilespmem:$0x29D0] =	vst v1  }
0xae: {  	s28 =	simm.s32 $0xBC0;
	v1 =	vld [tilespmem:s26+$0xFFFFFFF0]  }
.LBB2_4:
0xaf: {  	_ =	sdelay $0x2  }
0xb0: {  	p0 =	sne.s32 s28, $0x9FC0;
	s29 =	smov.u32 s28;
	s28 =	sadd.s32 $0x400, s28  }
0xb1: {  	v2 =	vand.u32 $0xFFFF, v1;
	v1 =	vshra.s32 v1, $0x10  }
0xb2: {  	[tilespmem:$0x28E0] =	vst v2  }
0xb3: {  	[tilespmem:$0x29E0] =	vst v1  }
0xb4: {  	v1 =	vld [tilespmem:s26+$0x0];
	_ =	sdelay $0x4  }
0xb5: {  	v2 =	vand.u32 $0xFFFF, v1;
	v1 =	vshra.s32 v1, $0x10  }
0xb6: {  	[tilespmem:$0x28F0] =	vst v2  }
0xb7: {  	[tilespmem:$0x29F0] =	vst v1  }
0xb8: {  	[tilespmem:s18], [sflag:$0x2] =	stream.indirect.gather [hbm4b:s1+s15], $0x80, s17, s15, $0xb8;
	[tilespmem:$0x1EA00] =	vst v63  }
0xb9: {  	_ =	swait.ge [sflag:s19], $0x4000  }
0xba: {  	[sflag:s19] =	ssyncset.done $0x0  }
0xbb: {  	[sflag:s19] =	ssyncadd.s32 $0xFFFFC000  }
0xbc: {  	[spmem:s3] =	stream.indirect.scatter.add.f32 [tilespmem:s13], [sflag:$0x3], $0x80, s20, s15, $0xb8;
	[tilespmem:$0x1EA00] =	vst v63  }
0xbd: {  	_ =	swait.ge [sflag:s21], $0x4000  }
0xbe: {  	[sflag:s21] =	ssyncset.done $0x0  }
0xbf: {  	s26 =	sshra.s32 s29, $0x2;
	[sflag:s21] =	ssyncadd.s32 $0xFFFFC000  }
0xc0: {  	v1 =	vld [tilespmem:s26+$0xFFFFFF10];
	_ =	sdelay $0x4  }
0xc1: {  	v2 =	vand.u32 $0xFFFF, v1;
	v1 =	vshra.s32 v1, $0x10  }
0xc2: {  	[tilespmem:$0x2800] =	vst v2  }
0xc3: {  	[tilespmem:$0x2900] =	vst v1  }
0xc4: {  	v1 =	vld [tilespmem:s26+$0xFFFFFF20];
	_ =	sdelay $0x4  }
0xc5: {  	v2 =	vand.u32 $0xFFFF, v1;
	v1 =	vshra.s32 v1, $0x10  }
0xc6: {  	[tilespmem:$0x2810] =	vst v2  }
0xc7: {  	[tilespmem:$0x2910] =	vst v1  }
0xc8: {  	v1 =	vld [tilespmem:s26+$0xFFFFFF30];
	_ =	sdelay $0x4  }
0xc9: {  	v2 =	vand.u32 $0xFFFF, v1;
	v1 =	vshra.s32 v1, $0x10  }
0xca: {  	[tilespmem:$0x2820] =	vst v2  }
0xcb: {  	[tilespmem:$0x2920] =	vst v1  }
0xcc: {  	v1 =	vld [tilespmem:s26+$0xFFFFFF40];
	_ =	sdelay $0x4  }
0xcd: {  	v2 =	vand.u32 $0xFFFF, v1;
	v1 =	vshra.s32 v1, $0x10  }
0xce: {  	[tilespmem:$0x2830] =	vst v2  }
0xcf: {  	[tilespmem:$0x2930] =	vst v1  }
0xd0: {  	v1 =	vld [tilespmem:s26+$0xFFFFFF50];
	_ =	sdelay $0x4  }
0xd1: {  	v2 =	vand.u32 $0xFFFF, v1;
	v1 =	vshra.s32 v1, $0x10  }
0xd2: {  	[tilespmem:$0x2840] =	vst v2  }
0xd3: {  	[tilespmem:$0x2940] =	vst v1  }
0xd4: {  	v1 =	vld [tilespmem:s26+$0xFFFFFF60];
	_ =	sdelay $0x4  }
0xd5: {  	v2 =	vand.u32 $0xFFFF, v1;
	v1 =	vshra.s32 v1, $0x10  }
0xd6: {  	[tilespmem:$0x2850] =	vst v2  }
0xd7: {  	[tilespmem:$0x2950] =	vst v1  }
0xd8: {  	v1 =	vld [tilespmem:s26+$0xFFFFFF70];
	_ =	sdelay $0x4  }
0xd9: {  	v2 =	vand.u32 $0xFFFF, v1;
	v1 =	vshra.s32 v1, $0x10  }
0xda: {  	[tilespmem:$0x2860] =	vst v2  }
0xdb: {  	[tilespmem:$0x2960] =	vst v1  }
0xdc: {  	v1 =	vld [tilespmem:s26+$0xFFFFFF80];
	_ =	sdelay $0x4  }
0xdd: {  	v2 =	vand.u32 $0xFFFF, v1;
	v1 =	vshra.s32 v1, $0x10  }
0xde: {  	[tilespmem:$0x2870] =	vst v2  }
0xdf: {  	[tilespmem:$0x2970] =	vst v1  }
0xe0: {  	[tilespmem:s13], [sflag:$0x1] =	stream.indirect.gather [hbm4b:s1+s15], $0x80, s16, s15, $0xb8;
	[tilespmem:$0x1EA00] =	vst v63  }
0xe1: {  	_ =	swait.ge [sflag:s22], $0x4000  }
0xe2: {  	[sflag:s22] =	ssyncset.done $0x0  }
0xe3: {  	[sflag:s22] =	ssyncadd.s32 $0xFFFFC000  }
0xe4: {  	[spmem:s3] =	stream.indirect.scatter.add.f32 [tilespmem:s18], [sflag:$0x4], $0x80, s23, s15, $0xb8;
	[tilespmem:$0x1EA00] =	vst v63  }
0xe5: {  	_ =	swait.ge [sflag:s24], $0x4000  }
0xe6: {  	[sflag:s24] =	ssyncset.done $0x0  }
0xe7: {  	[sflag:s24] =	ssyncadd.s32 $0xFFFFC000  }
0xe8: {  	v1 =	vld [tilespmem:s26+$0xFFFFFF90];
	_ =	sdelay $0x4  }
0xe9: {  	v2 =	vand.u32 $0xFFFF, v1;
	v1 =	vshra.s32 v1, $0x10  }
0xea: {  	[tilespmem:$0x2880] =	vst v2  }
0xeb: {  	[tilespmem:$0x2980] =	vst v1  }
0xec: {  	v1 =	vld [tilespmem:s26+$0xFFFFFFA0];
	_ =	sdelay $0x4  }
0xed: {  	v2 =	vand.u32 $0xFFFF, v1;
	v1 =	vshra.s32 v1, $0x10  }
0xee: {  	[tilespmem:$0x2890] =	vst v2  }
0xef: {  	[tilespmem:$0x2990] =	vst v1  }
0xf0: {  	v1 =	vld [tilespmem:s26+$0xFFFFFFB0];
	_ =	sdelay $0x4  }
0xf1: {  	v2 =	vand.u32 $0xFFFF, v1;
	v1 =	vshra.s32 v1, $0x10  }
0xf2: {  	[tilespmem:$0x28A0] =	vst v2  }
0xf3: {  	[tilespmem:$0x29A0] =	vst v1  }
0xf4: {  	v1 =	vld [tilespmem:s26+$0xFFFFFFC0];
	_ =	sdelay $0x4  }
0xf5: {  	v2 =	vand.u32 $0xFFFF, v1;
	v1 =	vshra.s32 v1, $0x10  }
0xf6: {  	[tilespmem:$0x28B0] =	vst v2  }
0xf7: {  	[tilespmem:$0x29B0] =	vst v1  }
0xf8: {  	v1 =	vld [tilespmem:s26+$0xFFFFFFD0];
	_ =	sdelay $0x4  }
0xf9: {  	v2 =	vand.u32 $0xFFFF, v1;
	v1 =	vshra.s32 v1, $0x10  }
0xfa: {  	[tilespmem:$0x28C0] =	vst v2  }
0xfb: {  	[tilespmem:$0x29C0] =	vst v1  }
0xfc: {  	v1 =	vld [tilespmem:s26+$0xFFFFFFE0];
	_ =	sdelay $0x3  }
.Ltmp1:
0xfd: {  	(pc) =	sbr.rel @p0 .LBB2_4-.Ltmp1, $4  }
0xfe: {  	v2 =	vand.u32 $0xFFFF, v1;
	v1 =	vshra.s32 v1, $0x10  }
0xff: {  	[tilespmem:$0x28D0] =	vst v2  }
0x100: {  	[tilespmem:$0x29D0] =	vst v1  }
0x101: {  	v1 =	vld [tilespmem:s26+$0xFFFFFFF0]  }
0x102: {  	_ =	sdelay $0x3  }
0x103: {  	v2 =	vand.u32 $0xFFFF, v1  }
0x104: {  	v1 =	vshra.s32 v1, $0x10;
	[tilespmem:$0x28E0] =	vst v2  }
0x105: {  	[tilespmem:$0x29E0] =	vst v1  }
0x106: {  	v1 =	vld [tilespmem:s26+$0x0];
	_ =	sdelay $0x4  }
0x107: {  	v2 =	vand.u32 $0xFFFF, v1  }
0x108: {  	v1 =	vshra.s32 v1, $0x10;
	[tilespmem:$0x28F0] =	vst v2  }
0x109: {  	[tilespmem:$0x29F0] =	vst v1  }
0x10a: {  	[tilespmem:s18], [sflag:$0x2] =	stream.indirect.gather [hbm4b:s1+s15], $0x80, s17, s15, $0xb8;
	[tilespmem:$0x1EA00] =	vst v63  }
0x10b: {  	_ =	swait.ge [sflag:s19], $0x4000  }
0x10c: {  	[sflag:s19] =	ssyncset.done $0x0  }
0x10d: {  	[sflag:s19] =	ssyncadd.s32 $0xFFFFC000  }
0x10e: {  	[spmem:s3] =	stream.indirect.scatter.add.f32 [tilespmem:s13], [sflag:$0x3], $0x80, s20, s15, $0xb8;
	[tilespmem:$0x1EA00] =	vst v63  }
0x10f: {  	_ =	swait.ge [sflag:s22], $0x4000  }
0x110: {  	[sflag:s22] =	ssyncset.done $0x0  }
0x111: {  	[sflag:s22] =	ssyncadd.s32 $0xFFFFC000  }
0x112: {  	[spmem:s3] =	stream.indirect.scatter.add.f32 [tilespmem:s18], [sflag:$0x4], $0x80, s23, s15, $0xb8;
	[tilespmem:$0x1EA00] =	vst v63  }
0x113: {  	_ =	swait.ge [sflag:s21], $0x4000  }
0x114: {  	[sflag:s21] =	ssyncset.done $0x0  }
0x115: {  	[sflag:s21] =	ssyncadd.s32 $0xFFFFC000  }
0x116: {  	_ =	swait.ge [sflag:s24], $0x4000  }
0x117: {  	s31 =	sshll.u32 s2, $0x6;
	s25 =	sadd.s32 $0x1, s25;
	[sflag:s24] =	ssyncset.done $0x0  }
0x118: {  	s28 =	sshrl.u32 s5, $0x3;
	p0 =	sne.s32 s25, s12;
	[sflag:s24] =	ssyncadd.s32 $0xFFFFC000  }
.Ltmp2:
0x119: {  	s26 =	sor.u32 $0x1C05, s31;
	[bflag:$0x0] =	sbarrier.arrive $0xFFFF;
	(pc) =	sbr.rel @p0 .LBB2_1-.Ltmp2, $4  }
0x11a: {  	[hbm:s11], [sflag:s26] =	dma.local [spmem:s28], $0x2800  }
0x11b: {  	_ =	swait.ge [sflag:s14], $0x2800  }
0x11c: {  	[sflag:s14] =	ssyncset.done $0x0  }
0x11d: {  	[sflag:s14] =	ssyncadd.s32 $0xFFFFD800  }
0x11e: {  	_ =	sfence.sel $0x180000  }
0x11f: {  	[bflag:$0x0] =	sbarrier.arrive $0xFFFF  }
0x120: {  	p0 =	sne.s32 s2, $0x0;
	_ =	strace $0x90000047  }
0x121: {  	s0 =	sadd.s32 @!p0 $0x100000, s0;
	[bflag:$0x2] =	sbarrier.arrive $0xFFFF  }
0x122: {  	[sflag:s0] =	ssyncadd.tile.s32 @!p0 $0x1;
	_ =	shalt  }
.Lfunc_end2:
_tile_overlayer_lowered:
.L_overlay_start_2:
0x123: {  	(tag) =	ssettag $0x2  }
0x124: {  	s0 =	rddreg [dreg:$0x0];
	s2 =	stileid.u32  }
0x125: {  	s1 =	rddreg [dreg:$0x1];
	p0 =	sne.s32 s2, $0x0  }
0x126: {  	s3 =	rddreg [dreg:$0x2];
	[bflag:$0x3] =	sbarrier.arrive $0xFFFF;
	s2 =	simm.s32 @!p0 $0x1C05  }
0x127: {  	[timem:s3], [sflag:s2] =	dma.local @!p0 [hbm:s0], s1  }
0x128: {  	s0 =	simm.s32 @!p0 $0x5  }
0x129: {  	_ =	swait.ge @!p0 [sflag:s0], s1  }
0x12a: {  	s1 =	ssub.s32 @!p0 $0x0, s1;
	[sflag:s0] =	ssyncset.done @!p0 $0x0  }
0x12b: {  	[sflag:s0] =	ssyncadd.s32 @!p0 s1  }
0x12c: {  	[bflag:$0x3] =	sbarrier.arrive $0xFFFF  }
0x12d: {  	_ =	shalt  }

</sc_bundles>
